<compile_context>
chip_gen: v7x
topology: tpu7x:2x2x1
jax: 0.10.2.dev20260603
libtpu: 0.0.44.dev20260713+nightly
codegen_flags: <defaults>
</compile_context>

<pallas_src>
import functools

import jax
import jax.numpy as jnp
from jax import lax
from jax.experimental import pallas as pl
from jax.experimental.pallas import tpu as pltpu
from jax.experimental.pallas import tpu_sc as plsc

_NC = 2
_NS = 16
_L = 16
_NW = _NC * _NS

_B = 16384
_D = 64
_V = 1000000
_BPW = _B // _NW
_NGRP = _BPW // _L
_NSLOT = 6
_LEAD = 5

_mesh = plsc.VectorSubcoreMesh(core_axis_name="c", subcore_axis_name="s")


@functools.partial(
    pl.kernel,
    out_type=jax.ShapeDtypeStruct((_NW, _BPW), jnp.float32),
    mesh=_mesh,
    compiler_params=pltpu.CompilerParams(needs_layout_passes=False,
                                         use_tc_tiling_on_sc=True),
    scratch_types=[
        pltpu.VMEM((_NGRP, _L), jnp.int32),
        pltpu.VMEM((_NGRP, _L), jnp.int32),
        pltpu.SMEM((_BPW,), jnp.int32),
        pltpu.SMEM((_BPW,), jnp.int32),
        pltpu.VMEM((_NSLOT, _D, 128), jnp.float32),
        pltpu.VMEM((_NSLOT, _D, 128), jnp.float32),
        pltpu.VMEM((_BPW,), jnp.float32),
        pltpu.SemaphoreType.DMA((_NSLOT,)),
        pltpu.SemaphoreType.DMA((_NSLOT,)),
    ],
)
def _sc_dot_gather(idx0_hbm, idx1_hbm, f0t_hbm, f1t_hbm, out_hbm,
                   idx0_v, idx1_v, si0, si1, blk0, blk1, out_v, sem0, sem1):
    wid = lax.axis_index("s") * _NC + lax.axis_index("c")

    pltpu.sync_copy(idx0_hbm.at[wid], idx0_v)
    pltpu.sync_copy(idx1_hbm.at[wid], idx1_v)

    def fill(g, carry):
        v0 = idx0_v[g, :]
        v1 = idx1_v[g, :]
        for j in range(_L):
            si0[g * _L + j] = v0[j]
            si1[g * _L + j] = v1[j]
        return carry

    lax.fori_loop(0, _NGRP, fill, 0)

    def fire(k, slot):
        t0 = pl.multiple_of((si0[k] // 128) * 128, 128)
        t1 = pl.multiple_of((si1[k] // 128) * 128, 128)
        pltpu.async_copy(f0t_hbm.at[:, pl.ds(t0, 128)], blk0.at[slot],
                         sem0.at[slot])
        pltpu.async_copy(f1t_hbm.at[:, pl.ds(t1, 128)], blk1.at[slot],
                         sem1.at[slot])

    for k in range(_LEAD):
        fire(k, k)

    lanes = lax.iota(jnp.int32, _L)
    last_lane = lanes == (_L - 1)

    def body(i, carry):
        @pl.when(i < _BPW - _LEAD)
        def _():
            fire(i + _LEAD, (i + _LEAD) % _NSLOT)

        slot = i % _NSLOT
        pltpu.make_async_copy(f0t_hbm.at[:, pl.ds(0, 128)], blk0.at[slot],
                              sem0.at[slot]).wait()
        pltpu.make_async_copy(f1t_hbm.at[:, pl.ds(0, 128)], blk1.at[slot],
                              sem1.at[slot]).wait()

        c0 = jnp.full((_L,), si0[i] % 128, jnp.int32)
        c1 = jnp.full((_L,), si1[i] % 128, jnp.int32)
        slot_spl = jnp.full((_L,), slot, jnp.int32)
        acc = None
        for q in range(_D // _L):
            rows = lanes + (q * _L)
            e0 = plsc.load_gather(blk0, [slot_spl, rows, c0])
            e1 = plsc.load_gather(blk1, [slot_spl, rows, c1])
            p = e0 * e1
            acc = p if acc is None else acc + p
        plsc.store_scatter(out_v, [jnp.full((_L,), i, jnp.int32)],
                           plsc.cumsum(acc), mask=last_lane)
        return carry

    lax.fori_loop(0, _BPW, body, 0)

    pltpu.sync_copy(out_v, out_hbm.at[wid])


def kernel(inputs_0, inputs_1, factor_0, factor_1):
    idx0 = inputs_0.reshape(_NW, _NGRP, _L)
    idx1 = inputs_1.reshape(_NW, _NGRP, _L)
    out = _sc_dot_gather(idx0, idx1, factor_0.T, factor_1.T)
    return out.reshape(_B)

# --- scband reference (transcript-rebuilt; emitter-appended) ---
"""Pipeline reference for scband-tfembedder-weight-tying-29360396436113 (READ-ONLY COPY).

The authoritative reference and input builder live on the scoring server;
editing this copy changes nothing except your own understanding.
"""

import jax, jax.numpy as jnp
import numpy as np

VOCAB = 1000000
EMBDIM = 64
BATCH = 16384

def setup_inputs(seed: int = 0) -> dict:
    key = jax.random.key(seed)
    k0, k1, k2, k3 = jax.random.split(key, 4)
    inputs_0 = jax.random.randint(k0, (BATCH,), 0, VOCAB, dtype=jnp.int64 if jax.config.jax_enable_x64 else jnp.int32).astype(jnp.int32)
    inputs_1 = jax.random.randint(k1, (BATCH,), 0, VOCAB, dtype=jnp.int64 if jax.config.jax_enable_x64 else jnp.int32).astype(jnp.int32)
    factor_0 = jax.random.normal(k2, (VOCAB, EMBDIM), dtype=jnp.float32) * 0.01
    factor_1 = jax.random.normal(k3, (VOCAB, EMBDIM), dtype=jnp.float32) * 0.01
    return {"inputs_0": inputs_0, "inputs_1": inputs_1, "factor_0": factor_0, "factor_1": factor_1}

def reference(inputs_0, inputs_1, factor_0, factor_1):
    # TFEmbedderWeightTying.call with fshares=[0,1]:
    # Mhat = gather(factor_0, inputs_0) * gather(factor_1, inputs_1); reduce_sum over embedding dim
    e0 = jnp.take(factor_0, inputs_0, axis=0)
    e1 = jnp.take(factor_1, inputs_1, axis=0)
    Mhat_batch = e0 * e1
    return jnp.sum(Mhat_batch, axis=1)

if __name__ == "__main__":
    import jax
    _d = setup_inputs()
    print(jax.jit(kernel)(*tuple(_d.values())))

</pallas_src>

<mosaic_0001>
#map = affine_map<(d0, d1) -> (0, 0, 0)>
#map1 = affine_map<(d0, d1) -> (0, 0)>
module attributes {stable_mosaic.version = 14 : i64} {
  func.func @_sc_dot_gather(%arg0: i32, %arg1: i32, %arg2: memref<32x32x16xi32, #tpu.memory_space<hbm>>, %arg3: memref<32x32x16xi32, #tpu.memory_space<hbm>>, %arg4: memref<64x1000000xf32, #tpu.memory_space<hbm>>, %arg5: memref<64x1000000xf32, #tpu.memory_space<hbm>>, %arg6: memref<32x512xf32, #tpu.memory_space<hbm>>, %arg7: memref<32x16xi32, #tpu.memory_space<vmem>>, %arg8: memref<32x16xi32, #tpu.memory_space<vmem>>, %arg9: memref<512xi32, #tpu.memory_space<smem>>, %arg10: memref<512xi32, #tpu.memory_space<smem>>, %arg11: memref<6x64x128xf32, #tpu.memory_space<vmem>>, %arg12: memref<6x64x128xf32, #tpu.memory_space<vmem>>, %arg13: memref<512xf32, #tpu.memory_space<vmem>>, %arg14: memref<6x!tpu.dma_semaphore, #tpu.memory_space<semaphore_mem>>, %arg15: memref<6x!tpu.dma_semaphore, #tpu.memory_space<semaphore_mem>>) attributes {dimension_semantics = [#tpu.dimension_semantics<core_parallel>, #tpu.dimension_semantics<subcore_parallel>], iteration_bounds = array<i64: 2, 16>, scalar_prefetch = 0 : i64, scratch_operands = 9 : i64, tpu.core_type = #tpu.core_type<sc_vector_subcore>, window_params = [{transform_indices = #map}, {transform_indices = #map}, {transform_indices = #map1}, {transform_indices = #map1}, {transform_indices = #map1}]} {
    %mul3A = arith.constant 2 : i32
    %mul3A_0 = arith.muli %arg1, %mul3A : i32
    %add3A = arith.addi %mul3A_0, %arg0 : i32
    "tpu.region"() ({
      %run_scoped3A = tpu.sem_alloc : memref<!tpu.dma_semaphore, #tpu.memory_space<semaphore_mem>>
      %dma_start3A_463 = arith.constant 0 : i32
      %dma_start3A_464 = arith.constant 0 : i32
      %dma_start3A_465 = tpu.memref_slice %arg2[%add3A, %dma_start3A_463, %dma_start3A_464] : memref<32x32x16xi32, #tpu.memory_space<hbm>> -> memref<1x32x16xi32, #tpu.memory_space<hbm>>
      %dma_start3A_466 = tpu.memref_squeeze %dma_start3A_465 : memref<1x32x16xi32, #tpu.memory_space<hbm>> -> memref<32x16xi32, #tpu.memory_space<hbm>>
      %dma_start3A_467 = arith.constant 0 : i32
      %dma_start3A_468 = arith.constant 0 : i32
      %dma_start3A_469 = tpu.memref_slice %arg2[%add3A, %dma_start3A_467, %dma_start3A_468] : memref<32x32x16xi32, #tpu.memory_space<hbm>> -> memref<1x32x16xi32, #tpu.memory_space<hbm>>
      %dma_start3A_470 = tpu.memref_squeeze %dma_start3A_469 : memref<1x32x16xi32, #tpu.memory_space<hbm>> -> memref<32x16xi32, #tpu.memory_space<hbm>>
      tpu.enqueue_dma source(%dma_start3A_470 : memref<32x16xi32, #tpu.memory_space<hbm>>) target(%arg7 : memref<32x16xi32, #tpu.memory_space<vmem>>) target_semaphore(%run_scoped3A : memref<!tpu.dma_semaphore, #tpu.memory_space<semaphore_mem>>)
      %dma_wait3A = arith.constant 0 : i32
      %dma_wait3A_471 = arith.constant 0 : i32
      %dma_wait3A_472 = tpu.memref_slice %arg2[%add3A, %dma_wait3A, %dma_wait3A_471] : memref<32x32x16xi32, #tpu.memory_space<hbm>> -> memref<1x32x16xi32, #tpu.memory_space<hbm>>
      %dma_wait3A_473 = tpu.memref_squeeze %dma_wait3A_472 : memref<1x32x16xi32, #tpu.memory_space<hbm>> -> memref<32x16xi32, #tpu.memory_space<hbm>>
      %dma_wait3A_474 = arith.constant 0 : i32
      %dma_wait3A_475 = arith.constant 0 : i32
      %dma_wait3A_476 = tpu.memref_slice %arg2[%add3A, %dma_wait3A_474, %dma_wait3A_475] : memref<32x32x16xi32, #tpu.memory_space<hbm>> -> memref<1x32x16xi32, #tpu.memory_space<hbm>>
      %dma_wait3A_477 = tpu.memref_squeeze %dma_wait3A_476 : memref<1x32x16xi32, #tpu.memory_space<hbm>> -> memref<32x16xi32, #tpu.memory_space<hbm>>
      tpu.wait_dma2 semaphore(%run_scoped3A : memref<!tpu.dma_semaphore, #tpu.memory_space<semaphore_mem>>) src(%dma_wait3A_477 : memref<32x16xi32, #tpu.memory_space<hbm>>) dst(%arg7 : memref<32x16xi32, #tpu.memory_space<vmem>>)
      tpu.yield
    }) : () -> ()
    "tpu.region"() ({
      %run_scoped3A = tpu.sem_alloc : memref<!tpu.dma_semaphore, #tpu.memory_space<semaphore_mem>>
      %dma_start3A_463 = arith.constant 0 : i32
      %dma_start3A_464 = arith.constant 0 : i32
      %dma_start3A_465 = tpu.memref_slice %arg3[%add3A, %dma_start3A_463, %dma_start3A_464] : memref<32x32x16xi32, #tpu.memory_space<hbm>> -> memref<1x32x16xi32, #tpu.memory_space<hbm>>
      %dma_start3A_466 = tpu.memref_squeeze %dma_start3A_465 : memref<1x32x16xi32, #tpu.memory_space<hbm>> -> memref<32x16xi32, #tpu.memory_space<hbm>>
      %dma_start3A_467 = arith.constant 0 : i32
      %dma_start3A_468 = arith.constant 0 : i32
      %dma_start3A_469 = tpu.memref_slice %arg3[%add3A, %dma_start3A_467, %dma_start3A_468] : memref<32x32x16xi32, #tpu.memory_space<hbm>> -> memref<1x32x16xi32, #tpu.memory_space<hbm>>
      %dma_start3A_470 = tpu.memref_squeeze %dma_start3A_469 : memref<1x32x16xi32, #tpu.memory_space<hbm>> -> memref<32x16xi32, #tpu.memory_space<hbm>>
      tpu.enqueue_dma source(%dma_start3A_470 : memref<32x16xi32, #tpu.memory_space<hbm>>) target(%arg8 : memref<32x16xi32, #tpu.memory_space<vmem>>) target_semaphore(%run_scoped3A : memref<!tpu.dma_semaphore, #tpu.memory_space<semaphore_mem>>)
      %dma_wait3A = arith.constant 0 : i32
      %dma_wait3A_471 = arith.constant 0 : i32
      %dma_wait3A_472 = tpu.memref_slice %arg3[%add3A, %dma_wait3A, %dma_wait3A_471] : memref<32x32x16xi32, #tpu.memory_space<hbm>> -> memref<1x32x16xi32, #tpu.memory_space<hbm>>
      %dma_wait3A_473 = tpu.memref_squeeze %dma_wait3A_472 : memref<1x32x16xi32, #tpu.memory_space<hbm>> -> memref<32x16xi32, #tpu.memory_space<hbm>>
      %dma_wait3A_474 = arith.constant 0 : i32
      %dma_wait3A_475 = arith.constant 0 : i32
      %dma_wait3A_476 = tpu.memref_slice %arg3[%add3A, %dma_wait3A_474, %dma_wait3A_475] : memref<32x32x16xi32, #tpu.memory_space<hbm>> -> memref<1x32x16xi32, #tpu.memory_space<hbm>>
      %dma_wait3A_477 = tpu.memref_squeeze %dma_wait3A_476 : memref<1x32x16xi32, #tpu.memory_space<hbm>> -> memref<32x16xi32, #tpu.memory_space<hbm>>
      tpu.wait_dma2 semaphore(%run_scoped3A : memref<!tpu.dma_semaphore, #tpu.memory_space<semaphore_mem>>) src(%dma_wait3A_477 : memref<32x16xi32, #tpu.memory_space<hbm>>) dst(%arg8 : memref<32x16xi32, #tpu.memory_space<vmem>>)
      tpu.yield
    }) : () -> ()
    %scan3A = arith.constant 0 : i32
    %scan3A_1 = arith.constant 0 : i32
    %scan3A_2 = arith.constant 32 : i32
    %scan3A_3 = arith.addi %scan3A_1, %scan3A_2 : i32
    %scan3A_4 = arith.constant 1 : i32
    scf.for %scan3A_463 = %scan3A_1 to %scan3A_3 step %scan3A_4  : i32 {
      %get3A_464 = arith.index_cast %scan3A_463 : i32 to index
      %get3A_465 = arith.constant 0 : index
      %get3A_466 = tpu.vector_load %arg7[%get3A_464, %get3A_465] {strides = array<i32>} : memref<32x16xi32, #tpu.memory_space<vmem>>, vector<16xi32>,
      %get3A_467 = arith.index_cast %scan3A_463 : i32 to index
      %get3A_468 = arith.constant 0 : index
      %get3A_469 = tpu.vector_load %arg8[%get3A_467, %get3A_468] {strides = array<i32>} : memref<32x16xi32, #tpu.memory_space<vmem>>, vector<16xi32>,
      %slice3A = vector.extract_strided_slice %get3A_466 {offsets = [0], sizes = [1], strides = [1]} : vector<16xi32> to vector<1xi32>
      %squeeze3A = vector.extract %slice3A[0] : i32 from vector<1xi32>
      %mul3A_470 = arith.constant 16 : i32
      %mul3A_471 = arith.muli %scan3A_463, %mul3A_470 : i32
      %add3A_472 = arith.constant 0 : i32
      %add3A_473 = arith.addi %mul3A_471, %add3A_472 : i32
      %swap3A = arith.index_cast %add3A_473 : i32 to index
      %swap3A_474 = memref.load %arg9[%swap3A] : memref<512xi32, #tpu.memory_space<smem>>
      memref.store %squeeze3A, %arg9[%swap3A] : memref<512xi32, #tpu.memory_space<smem>>
      %slice3A_475 = vector.extract_strided_slice %get3A_469 {offsets = [0], sizes = [1], strides = [1]} : vector<16xi32> to vector<1xi32>
      %squeeze3A_476 = vector.extract %slice3A_475[0] : i32 from vector<1xi32>
      %mul3A_477 = arith.constant 16 : i32
      %mul3A_478 = arith.muli %scan3A_463, %mul3A_477 : i32
      %add3A_479 = arith.constant 0 : i32
      %add3A_480 = arith.addi %mul3A_478, %add3A_479 : i32
      %swap3A_481 = arith.index_cast %add3A_480 : i32 to index
      %swap3A_482 = memref.load %arg10[%swap3A_481] : memref<512xi32, #tpu.memory_space<smem>>
      memref.store %squeeze3A_476, %arg10[%swap3A_481] : memref<512xi32, #tpu.memory_space<smem>>
      %slice3A_483 = vector.extract_strided_slice %get3A_466 {offsets = [1], sizes = [1], strides = [1]} : vector<16xi32> to vector<1xi32>
      %squeeze3A_484 = vector.extract %slice3A_483[0] : i32 from vector<1xi32>
      %mul3A_485 = arith.constant 16 : i32
      %mul3A_486 = arith.muli %scan3A_463, %mul3A_485 : i32
      %add3A_487 = arith.constant 1 : i32
      %add3A_488 = arith.addi %mul3A_486, %add3A_487 : i32
      %swap3A_489 = arith.index_cast %add3A_488 : i32 to index
      %swap3A_490 = memref.load %arg9[%swap3A_489] : memref<512xi32, #tpu.memory_space<smem>>
      memref.store %squeeze3A_484, %arg9[%swap3A_489] : memref<512xi32, #tpu.memory_space<smem>>
      %slice3A_491 = vector.extract_strided_slice %get3A_469 {offsets = [1], sizes = [1], strides = [1]} : vector<16xi32> to vector<1xi32>
      %squeeze3A_492 = vector.extract %slice3A_491[0] : i32 from vector<1xi32>
      %mul3A_493 = arith.constant 16 : i32
      %mul3A_494 = arith.muli %scan3A_463, %mul3A_493 : i32
      %add3A_495 = arith.constant 1 : i32
      %add3A_496 = arith.addi %mul3A_494, %add3A_495 : i32
      %swap3A_497 = arith.index_cast %add3A_496 : i32 to index
      %swap3A_498 = memref.load %arg10[%swap3A_497] : memref<512xi32, #tpu.memory_space<smem>>
      memref.store %squeeze3A_492, %arg10[%swap3A_497] : memref<512xi32, #tpu.memory_space<smem>>
      %slice3A_499 = vector.extract_strided_slice %get3A_466 {offsets = [2], sizes = [1], strides = [1]} : vector<16xi32> to vector<1xi32>
      %squeeze3A_500 = vector.extract %slice3A_499[0] : i32 from vector<1xi32>
      %mul3A_501 = arith.constant 16 : i32
      %mul3A_502 = arith.muli %scan3A_463, %mul3A_501 : i32
      %add3A_503 = arith.constant 2 : i32
      %add3A_504 = arith.addi %mul3A_502, %add3A_503 : i32
      %swap3A_505 = arith.index_cast %add3A_504 : i32 to index
      %swap3A_506 = memref.load %arg9[%swap3A_505] : memref<512xi32, #tpu.memory_space<smem>>
      memref.store %squeeze3A_500, %arg9[%swap3A_505] : memref<512xi32, #tpu.memory_space<smem>>
      %slice3A_507 = vector.extract_strided_slice %get3A_469 {offsets = [2], sizes = [1], strides = [1]} : vector<16xi32> to vector<1xi32>
      %squeeze3A_508 = vector.extract %slice3A_507[0] : i32 from vector<1xi32>
      %mul3A_509 = arith.constant 16 : i32
      %mul3A_510 = arith.muli %scan3A_463, %mul3A_509 : i32
      %add3A_511 = arith.constant 2 : i32
      %add3A_512 = arith.addi %mul3A_510, %add3A_511 : i32
      %swap3A_513 = arith.index_cast %add3A_512 : i32 to index
      %swap3A_514 = memref.load %arg10[%swap3A_513] : memref<512xi32, #tpu.memory_space<smem>>
      memref.store %squeeze3A_508, %arg10[%swap3A_513] : memref<512xi32, #tpu.memory_space<smem>>
      %slice3A_515 = vector.extract_strided_slice %get3A_466 {offsets = [3], sizes = [1], strides = [1]} : vector<16xi32> to vector<1xi32>
      %squeeze3A_516 = vector.extract %slice3A_515[0] : i32 from vector<1xi32>
      %mul3A_517 = arith.constant 16 : i32
      %mul3A_518 = arith.muli %scan3A_463, %mul3A_517 : i32
      %add3A_519 = arith.constant 3 : i32
      %add3A_520 = arith.addi %mul3A_518, %add3A_519 : i32
      %swap3A_521 = arith.index_cast %add3A_520 : i32 to index
      %swap3A_522 = memref.load %arg9[%swap3A_521] : memref<512xi32, #tpu.memory_space<smem>>
      memref.store %squeeze3A_516, %arg9[%swap3A_521] : memref<512xi32, #tpu.memory_space<smem>>
      %slice3A_523 = vector.extract_strided_slice %get3A_469 {offsets = [3], sizes = [1], strides = [1]} : vector<16xi32> to vector<1xi32>
      %squeeze3A_524 = vector.extract %slice3A_523[0] : i32 from vector<1xi32>
      %mul3A_525 = arith.constant 16 : i32
      %mul3A_526 = arith.muli %scan3A_463, %mul3A_525 : i32
      %add3A_527 = arith.constant 3 : i32
      %add3A_528 = arith.addi %mul3A_526, %add3A_527 : i32
      %swap3A_529 = arith.index_cast %add3A_528 : i32 to index
      %swap3A_530 = memref.load %arg10[%swap3A_529] : memref<512xi32, #tpu.memory_space<smem>>
      memref.store %squeeze3A_524, %arg10[%swap3A_529] : memref<512xi32, #tpu.memory_space<smem>>
      %slice3A_531 = vector.extract_strided_slice %get3A_466 {offsets = [4], sizes = [1], strides = [1]} : vector<16xi32> to vector<1xi32>
      %squeeze3A_532 = vector.extract %slice3A_531[0] : i32 from vector<1xi32>
      %mul3A_533 = arith.constant 16 : i32
      %mul3A_534 = arith.muli %scan3A_463, %mul3A_533 : i32
      %add3A_535 = arith.constant 4 : i32
      %add3A_536 = arith.addi %mul3A_534, %add3A_535 : i32
      %swap3A_537 = arith.index_cast %add3A_536 : i32 to index
      %swap3A_538 = memref.load %arg9[%swap3A_537] : memref<512xi32, #tpu.memory_space<smem>>
      memref.store %squeeze3A_532, %arg9[%swap3A_537] : memref<512xi32, #tpu.memory_space<smem>>
      %slice3A_539 = vector.extract_strided_slice %get3A_469 {offsets = [4], sizes = [1], strides = [1]} : vector<16xi32> to vector<1xi32>
      %squeeze3A_540 = vector.extract %slice3A_539[0] : i32 from vector<1xi32>
      %mul3A_541 = arith.constant 16 : i32
      %mul3A_542 = arith.muli %scan3A_463, %mul3A_541 : i32
      %add3A_543 = arith.constant 4 : i32
      %add3A_544 = arith.addi %mul3A_542, %add3A_543 : i32
      %swap3A_545 = arith.index_cast %add3A_544 : i32 to index
      %swap3A_546 = memref.load %arg10[%swap3A_545] : memref<512xi32, #tpu.memory_space<smem>>
      memref.store %squeeze3A_540, %arg10[%swap3A_545] : memref<512xi32, #tpu.memory_space<smem>>
      %slice3A_547 = vector.extract_strided_slice %get3A_466 {offsets = [5], sizes = [1], strides = [1]} : vector<16xi32> to vector<1xi32>
      %squeeze3A_548 = vector.extract %slice3A_547[0] : i32 from vector<1xi32>
      %mul3A_549 = arith.constant 16 : i32
      %mul3A_550 = arith.muli %scan3A_463, %mul3A_549 : i32
      %add3A_551 = arith.constant 5 : i32
      %add3A_552 = arith.addi %mul3A_550, %add3A_551 : i32
      %swap3A_553 = arith.index_cast %add3A_552 : i32 to index
      %swap3A_554 = memref.load %arg9[%swap3A_553] : memref<512xi32, #tpu.memory_space<smem>>
      memref.store %squeeze3A_548, %arg9[%swap3A_553] : memref<512xi32, #tpu.memory_space<smem>>
      %slice3A_555 = vector.extract_strided_slice %get3A_469 {offsets = [5], sizes = [1], strides = [1]} : vector<16xi32> to vector<1xi32>
      %squeeze3A_556 = vector.extract %slice3A_555[0] : i32 from vector<1xi32>
      %mul3A_557 = arith.constant 16 : i32
      %mul3A_558 = arith.muli %scan3A_463, %mul3A_557 : i32
      %add3A_559 = arith.constant 5 : i32
      %add3A_560 = arith.addi %mul3A_558, %add3A_559 : i32
      %swap3A_561 = arith.index_cast %add3A_560 : i32 to index
      %swap3A_562 = memref.load %arg10[%swap3A_561] : memref<512xi32, #tpu.memory_space<smem>>
      memref.store %squeeze3A_556, %arg10[%swap3A_561] : memref<512xi32, #tpu.memory_space<smem>>
      %slice3A_563 = vector.extract_strided_slice %get3A_466 {offsets = [6], sizes = [1], strides = [1]} : vector<16xi32> to vector<1xi32>
      %squeeze3A_564 = vector.extract %slice3A_563[0] : i32 from vector<1xi32>
      %mul3A_565 = arith.constant 16 : i32
      %mul3A_566 = arith.muli %scan3A_463, %mul3A_565 : i32
      %add3A_567 = arith.constant 6 : i32
      %add3A_568 = arith.addi %mul3A_566, %add3A_567 : i32
      %swap3A_569 = arith.index_cast %add3A_568 : i32 to index
      %swap3A_570 = memref.load %arg9[%swap3A_569] : memref<512xi32, #tpu.memory_space<smem>>
      memref.store %squeeze3A_564, %arg9[%swap3A_569] : memref<512xi32, #tpu.memory_space<smem>>
      %slice3A_571 = vector.extract_strided_slice %get3A_469 {offsets = [6], sizes = [1], strides = [1]} : vector<16xi32> to vector<1xi32>
      %squeeze3A_572 = vector.extract %slice3A_571[0] : i32 from vector<1xi32>
      %mul3A_573 = arith.constant 16 : i32
      %mul3A_574 = arith.muli %scan3A_463, %mul3A_573 : i32
      %add3A_575 = arith.constant 6 : i32
      %add3A_576 = arith.addi %mul3A_574, %add3A_575 : i32
      %swap3A_577 = arith.index_cast %add3A_576 : i32 to index
      %swap3A_578 = memref.load %arg10[%swap3A_577] : memref<512xi32, #tpu.memory_space<smem>>
      memref.store %squeeze3A_572, %arg10[%swap3A_577] : memref<512xi32, #tpu.memory_space<smem>>
      %slice3A_579 = vector.extract_strided_slice %get3A_466 {offsets = [7], sizes = [1], strides = [1]} : vector<16xi32> to vector<1xi32>
      %squeeze3A_580 = vector.extract %slice3A_579[0] : i32 from vector<1xi32>
      %mul3A_581 = arith.constant 16 : i32
      %mul3A_582 = arith.muli %scan3A_463, %mul3A_581 : i32
      %add3A_583 = arith.constant 7 : i32
      %add3A_584 = arith.addi %mul3A_582, %add3A_583 : i32
      %swap3A_585 = arith.index_cast %add3A_584 : i32 to index
      %swap3A_586 = memref.load %arg9[%swap3A_585] : memref<512xi32, #tpu.memory_space<smem>>
      memref.store %squeeze3A_580, %arg9[%swap3A_585] : memref<512xi32, #tpu.memory_space<smem>>
      %slice3A_587 = vector.extract_strided_slice %get3A_469 {offsets = [7], sizes = [1], strides = [1]} : vector<16xi32> to vector<1xi32>
      %squeeze3A_588 = vector.extract %slice3A_587[0] : i32 from vector<1xi32>
      %mul3A_589 = arith.constant 16 : i32
      %mul3A_590 = arith.muli %scan3A_463, %mul3A_589 : i32
      %add3A_591 = arith.constant 7 : i32
      %add3A_592 = arith.addi %mul3A_590, %add3A_591 : i32
      %swap3A_593 = arith.index_cast %add3A_592 : i32 to index
      %swap3A_594 = memref.load %arg10[%swap3A_593] : memref<512xi32, #tpu.memory_space<smem>>
      memref.store %squeeze3A_588, %arg10[%swap3A_593] : memref<512xi32, #tpu.memory_space<smem>>
      %slice3A_595 = vector.extract_strided_slice %get3A_466 {offsets = [8], sizes = [1], strides = [1]} : vector<16xi32> to vector<1xi32>
      %squeeze3A_596 = vector.extract %slice3A_595[0] : i32 from vector<1xi32>
      %mul3A_597 = arith.constant 16 : i32
      %mul3A_598 = arith.muli %scan3A_463, %mul3A_597 : i32
      %add3A_599 = arith.constant 8 : i32
      %add3A_600 = arith.addi %mul3A_598, %add3A_599 : i32
      %swap3A_601 = arith.index_cast %add3A_600 : i32 to index
      %swap3A_602 = memref.load %arg9[%swap3A_601] : memref<512xi32, #tpu.memory_space<smem>>
      memref.store %squeeze3A_596, %arg9[%swap3A_601] : memref<512xi32, #tpu.memory_space<smem>>
      %slice3A_603 = vector.extract_strided_slice %get3A_469 {offsets = [8], sizes = [1], strides = [1]} : vector<16xi32> to vector<1xi32>
      %squeeze3A_604 = vector.extract %slice3A_603[0] : i32 from vector<1xi32>
      %mul3A_605 = arith.constant 16 : i32
      %mul3A_606 = arith.muli %scan3A_463, %mul3A_605 : i32
      %add3A_607 = arith.constant 8 : i32
      %add3A_608 = arith.addi %mul3A_606, %add3A_607 : i32
      %swap3A_609 = arith.index_cast %add3A_608 : i32 to index
      %swap3A_610 = memref.load %arg10[%swap3A_609] : memref<512xi32, #tpu.memory_space<smem>>
      memref.store %squeeze3A_604, %arg10[%swap3A_609] : memref<512xi32, #tpu.memory_space<smem>>
      %slice3A_611 = vector.extract_strided_slice %get3A_466 {offsets = [9], sizes = [1], strides = [1]} : vector<16xi32> to vector<1xi32>
      %squeeze3A_612 = vector.extract %slice3A_611[0] : i32 from vector<1xi32>
      %mul3A_613 = arith.constant 16 : i32
      %mul3A_614 = arith.muli %scan3A_463, %mul3A_613 : i32
      %add3A_615 = arith.constant 9 : i32
      %add3A_616 = arith.addi %mul3A_614, %add3A_615 : i32
      %swap3A_617 = arith.index_cast %add3A_616 : i32 to index
      %swap3A_618 = memref.load %arg9[%swap3A_617] : memref<512xi32, #tpu.memory_space<smem>>
      memref.store %squeeze3A_612, %arg9[%swap3A_617] : memref<512xi32, #tpu.memory_space<smem>>
      %slice3A_619 = vector.extract_strided_slice %get3A_469 {offsets = [9], sizes = [1], strides = [1]} : vector<16xi32> to vector<1xi32>
      %squeeze3A_620 = vector.extract %slice3A_619[0] : i32 from vector<1xi32>
      %mul3A_621 = arith.constant 16 : i32
      %mul3A_622 = arith.muli %scan3A_463, %mul3A_621 : i32
      %add3A_623 = arith.constant 9 : i32
      %add3A_624 = arith.addi %mul3A_622, %add3A_623 : i32
      %swap3A_625 = arith.index_cast %add3A_624 : i32 to index
      %swap3A_626 = memref.load %arg10[%swap3A_625] : memref<512xi32, #tpu.memory_space<smem>>
      memref.store %squeeze3A_620, %arg10[%swap3A_625] : memref<512xi32, #tpu.memory_space<smem>>
      %slice3A_627 = vector.extract_strided_slice %get3A_466 {offsets = [10], sizes = [1], strides = [1]} : vector<16xi32> to vector<1xi32>
      %squeeze3A_628 = vector.extract %slice3A_627[0] : i32 from vector<1xi32>
      %mul3A_629 = arith.constant 16 : i32
      %mul3A_630 = arith.muli %scan3A_463, %mul3A_629 : i32
      %add3A_631 = arith.constant 10 : i32
      %add3A_632 = arith.addi %mul3A_630, %add3A_631 : i32
      %swap3A_633 = arith.index_cast %add3A_632 : i32 to index
      %swap3A_634 = memref.load %arg9[%swap3A_633] : memref<512xi32, #tpu.memory_space<smem>>
      memref.store %squeeze3A_628, %arg9[%swap3A_633] : memref<512xi32, #tpu.memory_space<smem>>
      %slice3A_635 = vector.extract_strided_slice %get3A_469 {offsets = [10], sizes = [1], strides = [1]} : vector<16xi32> to vector<1xi32>
      %squeeze3A_636 = vector.extract %slice3A_635[0] : i32 from vector<1xi32>
      %mul3A_637 = arith.constant 16 : i32
      %mul3A_638 = arith.muli %scan3A_463, %mul3A_637 : i32
      %add3A_639 = arith.constant 10 : i32
      %add3A_640 = arith.addi %mul3A_638, %add3A_639 : i32
      %swap3A_641 = arith.index_cast %add3A_640 : i32 to index
      %swap3A_642 = memref.load %arg10[%swap3A_641] : memref<512xi32, #tpu.memory_space<smem>>
      memref.store %squeeze3A_636, %arg10[%swap3A_641] : memref<512xi32, #tpu.memory_space<smem>>
      %slice3A_643 = vector.extract_strided_slice %get3A_466 {offsets = [11], sizes = [1], strides = [1]} : vector<16xi32> to vector<1xi32>
      %squeeze3A_644 = vector.extract %slice3A_643[0] : i32 from vector<1xi32>
      %mul3A_645 = arith.constant 16 : i32
      %mul3A_646 = arith.muli %scan3A_463, %mul3A_645 : i32
      %add3A_647 = arith.constant 11 : i32
      %add3A_648 = arith.addi %mul3A_646, %add3A_647 : i32
      %swap3A_649 = arith.index_cast %add3A_648 : i32 to index
      %swap3A_650 = memref.load %arg9[%swap3A_649] : memref<512xi32, #tpu.memory_space<smem>>
      memref.store %squeeze3A_644, %arg9[%swap3A_649] : memref<512xi32, #tpu.memory_space<smem>>
      %slice3A_651 = vector.extract_strided_slice %get3A_469 {offsets = [11], sizes = [1], strides = [1]} : vector<16xi32> to vector<1xi32>
      %squeeze3A_652 = vector.extract %slice3A_651[0] : i32 from vector<1xi32>
      %mul3A_653 = arith.constant 16 : i32
      %mul3A_654 = arith.muli %scan3A_463, %mul3A_653 : i32
      %add3A_655 = arith.constant 11 : i32
      %add3A_656 = arith.addi %mul3A_654, %add3A_655 : i32
      %swap3A_657 = arith.index_cast %add3A_656 : i32 to index
      %swap3A_658 = memref.load %arg10[%swap3A_657] : memref<512xi32, #tpu.memory_space<smem>>
      memref.store %squeeze3A_652, %arg10[%swap3A_657] : memref<512xi32, #tpu.memory_space<smem>>
      %slice3A_659 = vector.extract_strided_slice %get3A_466 {offsets = [12], sizes = [1], strides = [1]} : vector<16xi32> to vector<1xi32>
      %squeeze3A_660 = vector.extract %slice3A_659[0] : i32 from vector<1xi32>
      %mul3A_661 = arith.constant 16 : i32
      %mul3A_662 = arith.muli %scan3A_463, %mul3A_661 : i32
      %add3A_663 = arith.constant 12 : i32
      %add3A_664 = arith.addi %mul3A_662, %add3A_663 : i32
      %swap3A_665 = arith.index_cast %add3A_664 : i32 to index
      %swap3A_666 = memref.load %arg9[%swap3A_665] : memref<512xi32, #tpu.memory_space<smem>>
      memref.store %squeeze3A_660, %arg9[%swap3A_665] : memref<512xi32, #tpu.memory_space<smem>>
      %slice3A_667 = vector.extract_strided_slice %get3A_469 {offsets = [12], sizes = [1], strides = [1]} : vector<16xi32> to vector<1xi32>
      %squeeze3A_668 = vector.extract %slice3A_667[0] : i32 from vector<1xi32>
      %mul3A_669 = arith.constant 16 : i32
      %mul3A_670 = arith.muli %scan3A_463, %mul3A_669 : i32
      %add3A_671 = arith.constant 12 : i32
      %add3A_672 = arith.addi %mul3A_670, %add3A_671 : i32
      %swap3A_673 = arith.index_cast %add3A_672 : i32 to index
      %swap3A_674 = memref.load %arg10[%swap3A_673] : memref<512xi32, #tpu.memory_space<smem>>
      memref.store %squeeze3A_668, %arg10[%swap3A_673] : memref<512xi32, #tpu.memory_space<smem>>
      %slice3A_675 = vector.extract_strided_slice %get3A_466 {offsets = [13], sizes = [1], strides = [1]} : vector<16xi32> to vector<1xi32>
      %squeeze3A_676 = vector.extract %slice3A_675[0] : i32 from vector<1xi32>
      %mul3A_677 = arith.constant 16 : i32
      %mul3A_678 = arith.muli %scan3A_463, %mul3A_677 : i32
      %add3A_679 = arith.constant 13 : i32
      %add3A_680 = arith.addi %mul3A_678, %add3A_679 : i32
      %swap3A_681 = arith.index_cast %add3A_680 : i32 to index
      %swap3A_682 = memref.load %arg9[%swap3A_681] : memref<512xi32, #tpu.memory_space<smem>>
      memref.store %squeeze3A_676, %arg9[%swap3A_681] : memref<512xi32, #tpu.memory_space<smem>>
      %slice3A_683 = vector.extract_strided_slice %get3A_469 {offsets = [13], sizes = [1], strides = [1]} : vector<16xi32> to vector<1xi32>
      %squeeze3A_684 = vector.extract %slice3A_683[0] : i32 from vector<1xi32>
      %mul3A_685 = arith.constant 16 : i32
      %mul3A_686 = arith.muli %scan3A_463, %mul3A_685 : i32
      %add3A_687 = arith.constant 13 : i32
      %add3A_688 = arith.addi %mul3A_686, %add3A_687 : i32
      %swap3A_689 = arith.index_cast %add3A_688 : i32 to index
      %swap3A_690 = memref.load %arg10[%swap3A_689] : memref<512xi32, #tpu.memory_space<smem>>
      memref.store %squeeze3A_684, %arg10[%swap3A_689] : memref<512xi32, #tpu.memory_space<smem>>
      %slice3A_691 = vector.extract_strided_slice %get3A_466 {offsets = [14], sizes = [1], strides = [1]} : vector<16xi32> to vector<1xi32>
      %squeeze3A_692 = vector.extract %slice3A_691[0] : i32 from vector<1xi32>
      %mul3A_693 = arith.constant 16 : i32
      %mul3A_694 = arith.muli %scan3A_463, %mul3A_693 : i32
      %add3A_695 = arith.constant 14 : i32
      %add3A_696 = arith.addi %mul3A_694, %add3A_695 : i32
      %swap3A_697 = arith.index_cast %add3A_696 : i32 to index
      %swap3A_698 = memref.load %arg9[%swap3A_697] : memref<512xi32, #tpu.memory_space<smem>>
      memref.store %squeeze3A_692, %arg9[%swap3A_697] : memref<512xi32, #tpu.memory_space<smem>>
      %slice3A_699 = vector.extract_strided_slice %get3A_469 {offsets = [14], sizes = [1], strides = [1]} : vector<16xi32> to vector<1xi32>
      %squeeze3A_700 = vector.extract %slice3A_699[0] : i32 from vector<1xi32>
      %mul3A_701 = arith.constant 16 : i32
      %mul3A_702 = arith.muli %scan3A_463, %mul3A_701 : i32
      %add3A_703 = arith.constant 14 : i32
      %add3A_704 = arith.addi %mul3A_702, %add3A_703 : i32
      %swap3A_705 = arith.index_cast %add3A_704 : i32 to index
      %swap3A_706 = memref.load %arg10[%swap3A_705] : memref<512xi32, #tpu.memory_space<smem>>
      memref.store %squeeze3A_700, %arg10[%swap3A_705] : memref<512xi32, #tpu.memory_space<smem>>
      %slice3A_707 = vector.extract_strided_slice %get3A_466 {offsets = [15], sizes = [1], strides = [1]} : vector<16xi32> to vector<1xi32>
      %squeeze3A_708 = vector.extract %slice3A_707[0] : i32 from vector<1xi32>
      %mul3A_709 = arith.constant 16 : i32
      %mul3A_710 = arith.muli %scan3A_463, %mul3A_709 : i32
      %add3A_711 = arith.constant 15 : i32
      %add3A_712 = arith.addi %mul3A_710, %add3A_711 : i32
      %swap3A_713 = arith.index_cast %add3A_712 : i32 to index
      %swap3A_714 = memref.load %arg9[%swap3A_713] : memref<512xi32, #tpu.memory_space<smem>>
      memref.store %squeeze3A_708, %arg9[%swap3A_713] : memref<512xi32, #tpu.memory_space<smem>>
      %slice3A_715 = vector.extract_strided_slice %get3A_469 {offsets = [15], sizes = [1], strides = [1]} : vector<16xi32> to vector<1xi32>
      %squeeze3A_716 = vector.extract %slice3A_715[0] : i32 from vector<1xi32>
      %mul3A_717 = arith.constant 16 : i32
      %mul3A_718 = arith.muli %scan3A_463, %mul3A_717 : i32
      %add3A_719 = arith.constant 15 : i32
      %add3A_720 = arith.addi %mul3A_718, %add3A_719 : i32
      %swap3A_721 = arith.index_cast %add3A_720 : i32 to index
      %swap3A_722 = memref.load %arg10[%swap3A_721] : memref<512xi32, #tpu.memory_space<smem>>
      memref.store %squeeze3A_716, %arg10[%swap3A_721] : memref<512xi32, #tpu.memory_space<smem>>
    }
    %scan3A_5 = arith.constant 32 : i32
    %get3A = arith.constant 0 : i32
    %get3A_6 = arith.index_cast %get3A : i32 to index
    %get3A_7 = memref.load %arg9[%get3A_6] : memref<512xi32, #tpu.memory_space<smem>>
    %jit3A = arith.constant 128 : i32
    %div3A = arith.divsi %get3A_7, %jit3A : i32
    %sign3A = arith.constant 0 : i32
    %sign3A_8 = arith.cmpi sgt, %get3A_7, %sign3A : i32
    %sign3A_9 = arith.extui %sign3A_8 : i1 to i32
    %sign3A_10 = arith.constant 0 : i32
    %sign3A_11 = arith.cmpi slt, %get3A_7, %sign3A_10 : i32
    %sign3A_12 = arith.extui %sign3A_11 : i1 to i32
    %sign3A_13 = arith.subi %sign3A_9, %sign3A_12 : i32
    %sign3A_14 = arith.constant 0 : i32
    %sign3A_15 = arith.cmpi sgt, %jit3A, %sign3A_14 : i32
    %sign3A_16 = arith.extui %sign3A_15 : i1 to i32
    %sign3A_17 = arith.constant 0 : i32
    %sign3A_18 = arith.cmpi slt, %jit3A, %sign3A_17 : i32
    %sign3A_19 = arith.extui %sign3A_18 : i1 to i32
    %sign3A_20 = arith.subi %sign3A_16, %sign3A_19 : i32
    %ne3A = arith.cmpi ne, %sign3A_13, %sign3A_20 : i32
    %rem3A = arith.remsi %get3A_7, %jit3A : i32
    %ne3A_21 = arith.constant 0 : i32
    %ne3A_22 = arith.cmpi ne, %rem3A, %ne3A_21 : i32
    %and3A = arith.andi %ne3A, %ne3A_22 : i1
    %sub3A = arith.constant 1 : i32
    %sub3A_23 = arith.subi %div3A, %sub3A : i32
    %select_n3A = arith.select %and3A, %sub3A_23, %div3A : i32
    %mul3A_24 = arith.constant 128 : i32
    %mul3A_25 = arith.muli %select_n3A, %mul3A_24 : i32
    %multiple_of3A = tpu.assume_multiple %mul3A_25, 128 : i32
    %get3A_26 = arith.constant 0 : i32
    %get3A_27 = arith.index_cast %get3A_26 : i32 to index
    %get3A_28 = memref.load %arg10[%get3A_27] : memref<512xi32, #tpu.memory_space<smem>>
    %jit3A_29 = arith.constant 128 : i32
    %div3A_30 = arith.divsi %get3A_28, %jit3A_29 : i32
    %sign3A_31 = arith.constant 0 : i32
    %sign3A_32 = arith.cmpi sgt, %get3A_28, %sign3A_31 : i32
    %sign3A_33 = arith.extui %sign3A_32 : i1 to i32
    %sign3A_34 = arith.constant 0 : i32
    %sign3A_35 = arith.cmpi slt, %get3A_28, %sign3A_34 : i32
    %sign3A_36 = arith.extui %sign3A_35 : i1 to i32
    %sign3A_37 = arith.subi %sign3A_33, %sign3A_36 : i32
    %sign3A_38 = arith.constant 0 : i32
    %sign3A_39 = arith.cmpi sgt, %jit3A_29, %sign3A_38 : i32
    %sign3A_40 = arith.extui %sign3A_39 : i1 to i32
    %sign3A_41 = arith.constant 0 : i32
    %sign3A_42 = arith.cmpi slt, %jit3A_29, %sign3A_41 : i32
    %sign3A_43 = arith.extui %sign3A_42 : i1 to i32
    %sign3A_44 = arith.subi %sign3A_40, %sign3A_43 : i32
    %ne3A_45 = arith.cmpi ne, %sign3A_37, %sign3A_44 : i32
    %rem3A_46 = arith.remsi %get3A_28, %jit3A_29 : i32
    %ne3A_47 = arith.constant 0 : i32
    %ne3A_48 = arith.cmpi ne, %rem3A_46, %ne3A_47 : i32
    %and3A_49 = arith.andi %ne3A_45, %ne3A_48 : i1
    %sub3A_50 = arith.constant 1 : i32
    %sub3A_51 = arith.subi %div3A_30, %sub3A_50 : i32
    %select_n3A_52 = arith.select %and3A_49, %sub3A_51, %div3A_30 : i32
    %mul3A_53 = arith.constant 128 : i32
    %mul3A_54 = arith.muli %select_n3A_52, %mul3A_53 : i32
    %multiple_of3A_55 = tpu.assume_multiple %mul3A_54, 128 : i32
    %dma_start3A = arith.constant 0 : i32
    %dma_start3A_56 = arith.constant 0 : i32
    %dma_start3A_57 = arith.constant 0 : i32
    %dma_start3A_58 = arith.constant 0 : i32
    %dma_start3A_59 = tpu.memref_slice %arg11[%dma_start3A, %dma_start3A_57, %dma_start3A_58] : memref<6x64x128xf32, #tpu.memory_space<vmem>> -> memref<1x64x128xf32, #tpu.memory_space<vmem>>
    %dma_start3A_60 = tpu.memref_squeeze %dma_start3A_59 : memref<1x64x128xf32, #tpu.memory_space<vmem>> -> memref<64x128xf32, #tpu.memory_space<vmem>>
    %dma_start3A_61 = arith.constant 0 : i32
    %dma_start3A_62 = tpu.memref_slice %arg4[%dma_start3A_61, %multiple_of3A] : memref<64x1000000xf32, #tpu.memory_space<hbm>> -> memref<64x128xf32, #tpu.memory_space<hbm>>
    %dma_start3A_63 = tpu.memref_slice %arg14[%dma_start3A_56] : memref<6x!tpu.dma_semaphore, #tpu.memory_space<semaphore_mem>> -> memref<1x!tpu.dma_semaphore, #tpu.memory_space<semaphore_mem>>
    %dma_start3A_64 = tpu.memref_squeeze %dma_start3A_63 : memref<1x!tpu.dma_semaphore, #tpu.memory_space<semaphore_mem>> -> memref<!tpu.dma_semaphore, #tpu.memory_space<semaphore_mem>>
    %dma_start3A_65 = arith.constant 0 : i32
    %dma_start3A_66 = arith.constant 0 : i32
    %dma_start3A_67 = tpu.memref_slice %arg11[%dma_start3A, %dma_start3A_65, %dma_start3A_66] : memref<6x64x128xf32, #tpu.memory_space<vmem>> -> memref<1x64x128xf32, #tpu.memory_space<vmem>>
    %dma_start3A_68 = tpu.memref_squeeze %dma_start3A_67 : memref<1x64x128xf32, #tpu.memory_space<vmem>> -> memref<64x128xf32, #tpu.memory_space<vmem>>
    %dma_start3A_69 = arith.constant 0 : i32
    %dma_start3A_70 = tpu.memref_slice %arg4[%dma_start3A_69, %multiple_of3A] : memref<64x1000000xf32, #tpu.memory_space<hbm>> -> memref<64x128xf32, #tpu.memory_space<hbm>>
    tpu.enqueue_dma source(%dma_start3A_70 : memref<64x128xf32, #tpu.memory_space<hbm>>) target(%dma_start3A_68 : memref<64x128xf32, #tpu.memory_space<vmem>>) target_semaphore(%dma_start3A_64 : memref<!tpu.dma_semaphore, #tpu.memory_space<semaphore_mem>>)
    %dma_start3A_71 = arith.constant 0 : i32
    %dma_start3A_72 = arith.constant 0 : i32
    %dma_start3A_73 = arith.constant 0 : i32
    %dma_start3A_74 = arith.constant 0 : i32
    %dma_start3A_75 = tpu.memref_slice %arg12[%dma_start3A_71, %dma_start3A_73, %dma_start3A_74] : memref<6x64x128xf32, #tpu.memory_space<vmem>> -> memref<1x64x128xf32, #tpu.memory_space<vmem>>
    %dma_start3A_76 = tpu.memref_squeeze %dma_start3A_75 : memref<1x64x128xf32, #tpu.memory_space<vmem>> -> memref<64x128xf32, #tpu.memory_space<vmem>>
    %dma_start3A_77 = arith.constant 0 : i32
    %dma_start3A_78 = tpu.memref_slice %arg5[%dma_start3A_77, %multiple_of3A_55] : memref<64x1000000xf32, #tpu.memory_space<hbm>> -> memref<64x128xf32, #tpu.memory_space<hbm>>
    %dma_start3A_79 = tpu.memref_slice %arg15[%dma_start3A_72] : memref<6x!tpu.dma_semaphore, #tpu.memory_space<semaphore_mem>> -> memref<1x!tpu.dma_semaphore, #tpu.memory_space<semaphore_mem>>
    %dma_start3A_80 = tpu.memref_squeeze %dma_start3A_79 : memref<1x!tpu.dma_semaphore, #tpu.memory_space<semaphore_mem>> -> memref<!tpu.dma_semaphore, #tpu.memory_space<semaphore_mem>>
    %dma_start3A_81 = arith.constant 0 : i32
    %dma_start3A_82 = arith.constant 0 : i32
    %dma_start3A_83 = tpu.memref_slice %arg12[%dma_start3A_71, %dma_start3A_81, %dma_start3A_82] : memref<6x64x128xf32, #tpu.memory_space<vmem>> -> memref<1x64x128xf32, #tpu.memory_space<vmem>>
    %dma_start3A_84 = tpu.memref_squeeze %dma_start3A_83 : memref<1x64x128xf32, #tpu.memory_space<vmem>> -> memref<64x128xf32, #tpu.memory_space<vmem>>
    %dma_start3A_85 = arith.constant 0 : i32
    %dma_start3A_86 = tpu.memref_slice %arg5[%dma_start3A_85, %multiple_of3A_55] : memref<64x1000000xf32, #tpu.memory_space<hbm>> -> memref<64x128xf32, #tpu.memory_space<hbm>>
    tpu.enqueue_dma source(%dma_start3A_86 : memref<64x128xf32, #tpu.memory_space<hbm>>) target(%dma_start3A_84 : memref<64x128xf32, #tpu.memory_space<vmem>>) target_semaphore(%dma_start3A_80 : memref<!tpu.dma_semaphore, #tpu.memory_space<semaphore_mem>>)
    %get3A_87 = arith.constant 1 : i32
    %get3A_88 = arith.index_cast %get3A_87 : i32 to index
    %get3A_89 = memref.load %arg9[%get3A_88] : memref<512xi32, #tpu.memory_space<smem>>
    %jit3A_90 = arith.constant 128 : i32
    %div3A_91 = arith.divsi %get3A_89, %jit3A_90 : i32
    %sign3A_92 = arith.constant 0 : i32
    %sign3A_93 = arith.cmpi sgt, %get3A_89, %sign3A_92 : i32
    %sign3A_94 = arith.extui %sign3A_93 : i1 to i32
    %sign3A_95 = arith.constant 0 : i32
    %sign3A_96 = arith.cmpi slt, %get3A_89, %sign3A_95 : i32
    %sign3A_97 = arith.extui %sign3A_96 : i1 to i32
    %sign3A_98 = arith.subi %sign3A_94, %sign3A_97 : i32
    %sign3A_99 = arith.constant 0 : i32
    %sign3A_100 = arith.cmpi sgt, %jit3A_90, %sign3A_99 : i32
    %sign3A_101 = arith.extui %sign3A_100 : i1 to i32
    %sign3A_102 = arith.constant 0 : i32
    %sign3A_103 = arith.cmpi slt, %jit3A_90, %sign3A_102 : i32
    %sign3A_104 = arith.extui %sign3A_103 : i1 to i32
    %sign3A_105 = arith.subi %sign3A_101, %sign3A_104 : i32
    %ne3A_106 = arith.cmpi ne, %sign3A_98, %sign3A_105 : i32
    %rem3A_107 = arith.remsi %get3A_89, %jit3A_90 : i32
    %ne3A_108 = arith.constant 0 : i32
    %ne3A_109 = arith.cmpi ne, %rem3A_107, %ne3A_108 : i32
    %and3A_110 = arith.andi %ne3A_106, %ne3A_109 : i1
    %sub3A_111 = arith.constant 1 : i32
    %sub3A_112 = arith.subi %div3A_91, %sub3A_111 : i32
    %select_n3A_113 = arith.select %and3A_110, %sub3A_112, %div3A_91 : i32
    %mul3A_114 = arith.constant 128 : i32
    %mul3A_115 = arith.muli %select_n3A_113, %mul3A_114 : i32
    %multiple_of3A_116 = tpu.assume_multiple %mul3A_115, 128 : i32
    %get3A_117 = arith.constant 1 : i32
    %get3A_118 = arith.index_cast %get3A_117 : i32 to index
    %get3A_119 = memref.load %arg10[%get3A_118] : memref<512xi32, #tpu.memory_space<smem>>
    %jit3A_120 = arith.constant 128 : i32
    %div3A_121 = arith.divsi %get3A_119, %jit3A_120 : i32
    %sign3A_122 = arith.constant 0 : i32
    %sign3A_123 = arith.cmpi sgt, %get3A_119, %sign3A_122 : i32
    %sign3A_124 = arith.extui %sign3A_123 : i1 to i32
    %sign3A_125 = arith.constant 0 : i32
    %sign3A_126 = arith.cmpi slt, %get3A_119, %sign3A_125 : i32
    %sign3A_127 = arith.extui %sign3A_126 : i1 to i32
    %sign3A_128 = arith.subi %sign3A_124, %sign3A_127 : i32
    %sign3A_129 = arith.constant 0 : i32
    %sign3A_130 = arith.cmpi sgt, %jit3A_120, %sign3A_129 : i32
    %sign3A_131 = arith.extui %sign3A_130 : i1 to i32
    %sign3A_132 = arith.constant 0 : i32
    %sign3A_133 = arith.cmpi slt, %jit3A_120, %sign3A_132 : i32
    %sign3A_134 = arith.extui %sign3A_133 : i1 to i32
    %sign3A_135 = arith.subi %sign3A_131, %sign3A_134 : i32
    %ne3A_136 = arith.cmpi ne, %sign3A_128, %sign3A_135 : i32
    %rem3A_137 = arith.remsi %get3A_119, %jit3A_120 : i32
    %ne3A_138 = arith.constant 0 : i32
    %ne3A_139 = arith.cmpi ne, %rem3A_137, %ne3A_138 : i32
    %and3A_140 = arith.andi %ne3A_136, %ne3A_139 : i1
    %sub3A_141 = arith.constant 1 : i32
    %sub3A_142 = arith.subi %div3A_121, %sub3A_141 : i32
    %select_n3A_143 = arith.select %and3A_140, %sub3A_142, %div3A_121 : i32
    %mul3A_144 = arith.constant 128 : i32
    %mul3A_145 = arith.muli %select_n3A_143, %mul3A_144 : i32
    %multiple_of3A_146 = tpu.assume_multiple %mul3A_145, 128 : i32
    %dma_start3A_147 = arith.constant 1 : i32
    %dma_start3A_148 = arith.constant 1 : i32
    %dma_start3A_149 = arith.constant 0 : i32
    %dma_start3A_150 = arith.constant 0 : i32
    %dma_start3A_151 = tpu.memref_slice %arg11[%dma_start3A_147, %dma_start3A_149, %dma_start3A_150] : memref<6x64x128xf32, #tpu.memory_space<vmem>> -> memref<1x64x128xf32, #tpu.memory_space<vmem>>
    %dma_start3A_152 = tpu.memref_squeeze %dma_start3A_151 : memref<1x64x128xf32, #tpu.memory_space<vmem>> -> memref<64x128xf32, #tpu.memory_space<vmem>>
    %dma_start3A_153 = arith.constant 0 : i32
    %dma_start3A_154 = tpu.memref_slice %arg4[%dma_start3A_153, %multiple_of3A_116] : memref<64x1000000xf32, #tpu.memory_space<hbm>> -> memref<64x128xf32, #tpu.memory_space<hbm>>
    %dma_start3A_155 = tpu.memref_slice %arg14[%dma_start3A_148] : memref<6x!tpu.dma_semaphore, #tpu.memory_space<semaphore_mem>> -> memref<1x!tpu.dma_semaphore, #tpu.memory_space<semaphore_mem>>
    %dma_start3A_156 = tpu.memref_squeeze %dma_start3A_155 : memref<1x!tpu.dma_semaphore, #tpu.memory_space<semaphore_mem>> -> memref<!tpu.dma_semaphore, #tpu.memory_space<semaphore_mem>>
    %dma_start3A_157 = arith.constant 0 : i32
    %dma_start3A_158 = arith.constant 0 : i32
    %dma_start3A_159 = tpu.memref_slice %arg11[%dma_start3A_147, %dma_start3A_157, %dma_start3A_158] : memref<6x64x128xf32, #tpu.memory_space<vmem>> -> memref<1x64x128xf32, #tpu.memory_space<vmem>>
    %dma_start3A_160 = tpu.memref_squeeze %dma_start3A_159 : memref<1x64x128xf32, #tpu.memory_space<vmem>> -> memref<64x128xf32, #tpu.memory_space<vmem>>
    %dma_start3A_161 = arith.constant 0 : i32
    %dma_start3A_162 = tpu.memref_slice %arg4[%dma_start3A_161, %multiple_of3A_116] : memref<64x1000000xf32, #tpu.memory_space<hbm>> -> memref<64x128xf32, #tpu.memory_space<hbm>>
    tpu.enqueue_dma source(%dma_start3A_162 : memref<64x128xf32, #tpu.memory_space<hbm>>) target(%dma_start3A_160 : memref<64x128xf32, #tpu.memory_space<vmem>>) target_semaphore(%dma_start3A_156 : memref<!tpu.dma_semaphore, #tpu.memory_space<semaphore_mem>>)
    %dma_start3A_163 = arith.constant 1 : i32
    %dma_start3A_164 = arith.constant 1 : i32
    %dma_start3A_165 = arith.constant 0 : i32
    %dma_start3A_166 = arith.constant 0 : i32
    %dma_start3A_167 = tpu.memref_slice %arg12[%dma_start3A_163, %dma_start3A_165, %dma_start3A_166] : memref<6x64x128xf32, #tpu.memory_space<vmem>> -> memref<1x64x128xf32, #tpu.memory_space<vmem>>
    %dma_start3A_168 = tpu.memref_squeeze %dma_start3A_167 : memref<1x64x128xf32, #tpu.memory_space<vmem>> -> memref<64x128xf32, #tpu.memory_space<vmem>>
    %dma_start3A_169 = arith.constant 0 : i32
    %dma_start3A_170 = tpu.memref_slice %arg5[%dma_start3A_169, %multiple_of3A_146] : memref<64x1000000xf32, #tpu.memory_space<hbm>> -> memref<64x128xf32, #tpu.memory_space<hbm>>
    %dma_start3A_171 = tpu.memref_slice %arg15[%dma_start3A_164] : memref<6x!tpu.dma_semaphore, #tpu.memory_space<semaphore_mem>> -> memref<1x!tpu.dma_semaphore, #tpu.memory_space<semaphore_mem>>
    %dma_start3A_172 = tpu.memref_squeeze %dma_start3A_171 : memref<1x!tpu.dma_semaphore, #tpu.memory_space<semaphore_mem>> -> memref<!tpu.dma_semaphore, #tpu.memory_space<semaphore_mem>>
    %dma_start3A_173 = arith.constant 0 : i32
    %dma_start3A_174 = arith.constant 0 : i32
    %dma_start3A_175 = tpu.memref_slice %arg12[%dma_start3A_163, %dma_start3A_173, %dma_start3A_174] : memref<6x64x128xf32, #tpu.memory_space<vmem>> -> memref<1x64x128xf32, #tpu.memory_space<vmem>>
    %dma_start3A_176 = tpu.memref_squeeze %dma_start3A_175 : memref<1x64x128xf32, #tpu.memory_space<vmem>> -> memref<64x128xf32, #tpu.memory_space<vmem>>
    %dma_start3A_177 = arith.constant 0 : i32
    %dma_start3A_178 = tpu.memref_slice %arg5[%dma_start3A_177, %multiple_of3A_146] : memref<64x1000000xf32, #tpu.memory_space<hbm>> -> memref<64x128xf32, #tpu.memory_space<hbm>>
    tpu.enqueue_dma source(%dma_start3A_178 : memref<64x128xf32, #tpu.memory_space<hbm>>) target(%dma_start3A_176 : memref<64x128xf32, #tpu.memory_space<vmem>>) target_semaphore(%dma_start3A_172 : memref<!tpu.dma_semaphore, #tpu.memory_space<semaphore_mem>>)
    %get3A_179 = arith.constant 2 : i32
    %get3A_180 = arith.index_cast %get3A_179 : i32 to index
    %get3A_181 = memref.load %arg9[%get3A_180] : memref<512xi32, #tpu.memory_space<smem>>
    %jit3A_182 = arith.constant 128 : i32
    %div3A_183 = arith.divsi %get3A_181, %jit3A_182 : i32
    %sign3A_184 = arith.constant 0 : i32
    %sign3A_185 = arith.cmpi sgt, %get3A_181, %sign3A_184 : i32
    %sign3A_186 = arith.extui %sign3A_185 : i1 to i32
    %sign3A_187 = arith.constant 0 : i32
    %sign3A_188 = arith.cmpi slt, %get3A_181, %sign3A_187 : i32
    %sign3A_189 = arith.extui %sign3A_188 : i1 to i32
    %sign3A_190 = arith.subi %sign3A_186, %sign3A_189 : i32
    %sign3A_191 = arith.constant 0 : i32
    %sign3A_192 = arith.cmpi sgt, %jit3A_182, %sign3A_191 : i32
    %sign3A_193 = arith.extui %sign3A_192 : i1 to i32
    %sign3A_194 = arith.constant 0 : i32
    %sign3A_195 = arith.cmpi slt, %jit3A_182, %sign3A_194 : i32
    %sign3A_196 = arith.extui %sign3A_195 : i1 to i32
    %sign3A_197 = arith.subi %sign3A_193, %sign3A_196 : i32
    %ne3A_198 = arith.cmpi ne, %sign3A_190, %sign3A_197 : i32
    %rem3A_199 = arith.remsi %get3A_181, %jit3A_182 : i32
    %ne3A_200 = arith.constant 0 : i32
    %ne3A_201 = arith.cmpi ne, %rem3A_199, %ne3A_200 : i32
    %and3A_202 = arith.andi %ne3A_198, %ne3A_201 : i1
    %sub3A_203 = arith.constant 1 : i32
    %sub3A_204 = arith.subi %div3A_183, %sub3A_203 : i32
    %select_n3A_205 = arith.select %and3A_202, %sub3A_204, %div3A_183 : i32
    %mul3A_206 = arith.constant 128 : i32
    %mul3A_207 = arith.muli %select_n3A_205, %mul3A_206 : i32
    %multiple_of3A_208 = tpu.assume_multiple %mul3A_207, 128 : i32
    %get3A_209 = arith.constant 2 : i32
    %get3A_210 = arith.index_cast %get3A_209 : i32 to index
    %get3A_211 = memref.load %arg10[%get3A_210] : memref<512xi32, #tpu.memory_space<smem>>
    %jit3A_212 = arith.constant 128 : i32
    %div3A_213 = arith.divsi %get3A_211, %jit3A_212 : i32
    %sign3A_214 = arith.constant 0 : i32
    %sign3A_215 = arith.cmpi sgt, %get3A_211, %sign3A_214 : i32
    %sign3A_216 = arith.extui %sign3A_215 : i1 to i32
    %sign3A_217 = arith.constant 0 : i32
    %sign3A_218 = arith.cmpi slt, %get3A_211, %sign3A_217 : i32
    %sign3A_219 = arith.extui %sign3A_218 : i1 to i32
    %sign3A_220 = arith.subi %sign3A_216, %sign3A_219 : i32
    %sign3A_221 = arith.constant 0 : i32
    %sign3A_222 = arith.cmpi sgt, %jit3A_212, %sign3A_221 : i32
    %sign3A_223 = arith.extui %sign3A_222 : i1 to i32
    %sign3A_224 = arith.constant 0 : i32
    %sign3A_225 = arith.cmpi slt, %jit3A_212, %sign3A_224 : i32
    %sign3A_226 = arith.extui %sign3A_225 : i1 to i32
    %sign3A_227 = arith.subi %sign3A_223, %sign3A_226 : i32
    %ne3A_228 = arith.cmpi ne, %sign3A_220, %sign3A_227 : i32
    %rem3A_229 = arith.remsi %get3A_211, %jit3A_212 : i32
    %ne3A_230 = arith.constant 0 : i32
    %ne3A_231 = arith.cmpi ne, %rem3A_229, %ne3A_230 : i32
    %and3A_232 = arith.andi %ne3A_228, %ne3A_231 : i1
    %sub3A_233 = arith.constant 1 : i32
    %sub3A_234 = arith.subi %div3A_213, %sub3A_233 : i32
    %select_n3A_235 = arith.select %and3A_232, %sub3A_234, %div3A_213 : i32
    %mul3A_236 = arith.constant 128 : i32
    %mul3A_237 = arith.muli %select_n3A_235, %mul3A_236 : i32
    %multiple_of3A_238 = tpu.assume_multiple %mul3A_237, 128 : i32
    %dma_start3A_239 = arith.constant 2 : i32
    %dma_start3A_240 = arith.constant 2 : i32
    %dma_start3A_241 = arith.constant 0 : i32
    %dma_start3A_242 = arith.constant 0 : i32
    %dma_start3A_243 = tpu.memref_slice %arg11[%dma_start3A_239, %dma_start3A_241, %dma_start3A_242] : memref<6x64x128xf32, #tpu.memory_space<vmem>> -> memref<1x64x128xf32, #tpu.memory_space<vmem>>
    %dma_start3A_244 = tpu.memref_squeeze %dma_start3A_243 : memref<1x64x128xf32, #tpu.memory_space<vmem>> -> memref<64x128xf32, #tpu.memory_space<vmem>>
    %dma_start3A_245 = arith.constant 0 : i32
    %dma_start3A_246 = tpu.memref_slice %arg4[%dma_start3A_245, %multiple_of3A_208] : memref<64x1000000xf32, #tpu.memory_space<hbm>> -> memref<64x128xf32, #tpu.memory_space<hbm>>
    %dma_start3A_247 = tpu.memref_slice %arg14[%dma_start3A_240] : memref<6x!tpu.dma_semaphore, #tpu.memory_space<semaphore_mem>> -> memref<1x!tpu.dma_semaphore, #tpu.memory_space<semaphore_mem>>
    %dma_start3A_248 = tpu.memref_squeeze %dma_start3A_247 : memref<1x!tpu.dma_semaphore, #tpu.memory_space<semaphore_mem>> -> memref<!tpu.dma_semaphore, #tpu.memory_space<semaphore_mem>>
    %dma_start3A_249 = arith.constant 0 : i32
    %dma_start3A_250 = arith.constant 0 : i32
    %dma_start3A_251 = tpu.memref_slice %arg11[%dma_start3A_239, %dma_start3A_249, %dma_start3A_250] : memref<6x64x128xf32, #tpu.memory_space<vmem>> -> memref<1x64x128xf32, #tpu.memory_space<vmem>>
    %dma_start3A_252 = tpu.memref_squeeze %dma_start3A_251 : memref<1x64x128xf32, #tpu.memory_space<vmem>> -> memref<64x128xf32, #tpu.memory_space<vmem>>
    %dma_start3A_253 = arith.constant 0 : i32
    %dma_start3A_254 = tpu.memref_slice %arg4[%dma_start3A_253, %multiple_of3A_208] : memref<64x1000000xf32, #tpu.memory_space<hbm>> -> memref<64x128xf32, #tpu.memory_space<hbm>>
    tpu.enqueue_dma source(%dma_start3A_254 : memref<64x128xf32, #tpu.memory_space<hbm>>) target(%dma_start3A_252 : memref<64x128xf32, #tpu.memory_space<vmem>>) target_semaphore(%dma_start3A_248 : memref<!tpu.dma_semaphore, #tpu.memory_space<semaphore_mem>>)
    %dma_start3A_255 = arith.constant 2 : i32
    %dma_start3A_256 = arith.constant 2 : i32
    %dma_start3A_257 = arith.constant 0 : i32
    %dma_start3A_258 = arith.constant 0 : i32
    %dma_start3A_259 = tpu.memref_slice %arg12[%dma_start3A_255, %dma_start3A_257, %dma_start3A_258] : memref<6x64x128xf32, #tpu.memory_space<vmem>> -> memref<1x64x128xf32, #tpu.memory_space<vmem>>
    %dma_start3A_260 = tpu.memref_squeeze %dma_start3A_259 : memref<1x64x128xf32, #tpu.memory_space<vmem>> -> memref<64x128xf32, #tpu.memory_space<vmem>>
    %dma_start3A_261 = arith.constant 0 : i32
    %dma_start3A_262 = tpu.memref_slice %arg5[%dma_start3A_261, %multiple_of3A_238] : memref<64x1000000xf32, #tpu.memory_space<hbm>> -> memref<64x128xf32, #tpu.memory_space<hbm>>
    %dma_start3A_263 = tpu.memref_slice %arg15[%dma_start3A_256] : memref<6x!tpu.dma_semaphore, #tpu.memory_space<semaphore_mem>> -> memref<1x!tpu.dma_semaphore, #tpu.memory_space<semaphore_mem>>
    %dma_start3A_264 = tpu.memref_squeeze %dma_start3A_263 : memref<1x!tpu.dma_semaphore, #tpu.memory_space<semaphore_mem>> -> memref<!tpu.dma_semaphore, #tpu.memory_space<semaphore_mem>>
    %dma_start3A_265 = arith.constant 0 : i32
    %dma_start3A_266 = arith.constant 0 : i32
    %dma_start3A_267 = tpu.memref_slice %arg12[%dma_start3A_255, %dma_start3A_265, %dma_start3A_266] : memref<6x64x128xf32, #tpu.memory_space<vmem>> -> memref<1x64x128xf32, #tpu.memory_space<vmem>>
    %dma_start3A_268 = tpu.memref_squeeze %dma_start3A_267 : memref<1x64x128xf32, #tpu.memory_space<vmem>> -> memref<64x128xf32, #tpu.memory_space<vmem>>
    %dma_start3A_269 = arith.constant 0 : i32
    %dma_start3A_270 = tpu.memref_slice %arg5[%dma_start3A_269, %multiple_of3A_238] : memref<64x1000000xf32, #tpu.memory_space<hbm>> -> memref<64x128xf32, #tpu.memory_space<hbm>>
    tpu.enqueue_dma source(%dma_start3A_270 : memref<64x128xf32, #tpu.memory_space<hbm>>) target(%dma_start3A_268 : memref<64x128xf32, #tpu.memory_space<vmem>>) target_semaphore(%dma_start3A_264 : memref<!tpu.dma_semaphore, #tpu.memory_space<semaphore_mem>>)
    %get3A_271 = arith.constant 3 : i32
    %get3A_272 = arith.index_cast %get3A_271 : i32 to index
    %get3A_273 = memref.load %arg9[%get3A_272] : memref<512xi32, #tpu.memory_space<smem>>
    %jit3A_274 = arith.constant 128 : i32
    %div3A_275 = arith.divsi %get3A_273, %jit3A_274 : i32
    %sign3A_276 = arith.constant 0 : i32
    %sign3A_277 = arith.cmpi sgt, %get3A_273, %sign3A_276 : i32
    %sign3A_278 = arith.extui %sign3A_277 : i1 to i32
    %sign3A_279 = arith.constant 0 : i32
    %sign3A_280 = arith.cmpi slt, %get3A_273, %sign3A_279 : i32
    %sign3A_281 = arith.extui %sign3A_280 : i1 to i32
    %sign3A_282 = arith.subi %sign3A_278, %sign3A_281 : i32
    %sign3A_283 = arith.constant 0 : i32
    %sign3A_284 = arith.cmpi sgt, %jit3A_274, %sign3A_283 : i32
    %sign3A_285 = arith.extui %sign3A_284 : i1 to i32
    %sign3A_286 = arith.constant 0 : i32
    %sign3A_287 = arith.cmpi slt, %jit3A_274, %sign3A_286 : i32
    %sign3A_288 = arith.extui %sign3A_287 : i1 to i32
    %sign3A_289 = arith.subi %sign3A_285, %sign3A_288 : i32
    %ne3A_290 = arith.cmpi ne, %sign3A_282, %sign3A_289 : i32
    %rem3A_291 = arith.remsi %get3A_273, %jit3A_274 : i32
    %ne3A_292 = arith.constant 0 : i32
    %ne3A_293 = arith.cmpi ne, %rem3A_291, %ne3A_292 : i32
    %and3A_294 = arith.andi %ne3A_290, %ne3A_293 : i1
    %sub3A_295 = arith.constant 1 : i32
    %sub3A_296 = arith.subi %div3A_275, %sub3A_295 : i32
    %select_n3A_297 = arith.select %and3A_294, %sub3A_296, %div3A_275 : i32
    %mul3A_298 = arith.constant 128 : i32
    %mul3A_299 = arith.muli %select_n3A_297, %mul3A_298 : i32
    %multiple_of3A_300 = tpu.assume_multiple %mul3A_299, 128 : i32
    %get3A_301 = arith.constant 3 : i32
    %get3A_302 = arith.index_cast %get3A_301 : i32 to index
    %get3A_303 = memref.load %arg10[%get3A_302] : memref<512xi32, #tpu.memory_space<smem>>
    %jit3A_304 = arith.constant 128 : i32
    %div3A_305 = arith.divsi %get3A_303, %jit3A_304 : i32
    %sign3A_306 = arith.constant 0 : i32
    %sign3A_307 = arith.cmpi sgt, %get3A_303, %sign3A_306 : i32
    %sign3A_308 = arith.extui %sign3A_307 : i1 to i32
    %sign3A_309 = arith.constant 0 : i32
    %sign3A_310 = arith.cmpi slt, %get3A_303, %sign3A_309 : i32
    %sign3A_311 = arith.extui %sign3A_310 : i1 to i32
    %sign3A_312 = arith.subi %sign3A_308, %sign3A_311 : i32
    %sign3A_313 = arith.constant 0 : i32
    %sign3A_314 = arith.cmpi sgt, %jit3A_304, %sign3A_313 : i32
    %sign3A_315 = arith.extui %sign3A_314 : i1 to i32
    %sign3A_316 = arith.constant 0 : i32
    %sign3A_317 = arith.cmpi slt, %jit3A_304, %sign3A_316 : i32
    %sign3A_318 = arith.extui %sign3A_317 : i1 to i32
    %sign3A_319 = arith.subi %sign3A_315, %sign3A_318 : i32
    %ne3A_320 = arith.cmpi ne, %sign3A_312, %sign3A_319 : i32
    %rem3A_321 = arith.remsi %get3A_303, %jit3A_304 : i32
    %ne3A_322 = arith.constant 0 : i32
    %ne3A_323 = arith.cmpi ne, %rem3A_321, %ne3A_322 : i32
    %and3A_324 = arith.andi %ne3A_320, %ne3A_323 : i1
    %sub3A_325 = arith.constant 1 : i32
    %sub3A_326 = arith.subi %div3A_305, %sub3A_325 : i32
    %select_n3A_327 = arith.select %and3A_324, %sub3A_326, %div3A_305 : i32
    %mul3A_328 = arith.constant 128 : i32
    %mul3A_329 = arith.muli %select_n3A_327, %mul3A_328 : i32
    %multiple_of3A_330 = tpu.assume_multiple %mul3A_329, 128 : i32
    %dma_start3A_331 = arith.constant 3 : i32
    %dma_start3A_332 = arith.constant 3 : i32
    %dma_start3A_333 = arith.constant 0 : i32
    %dma_start3A_334 = arith.constant 0 : i32
    %dma_start3A_335 = tpu.memref_slice %arg11[%dma_start3A_331, %dma_start3A_333, %dma_start3A_334] : memref<6x64x128xf32, #tpu.memory_space<vmem>> -> memref<1x64x128xf32, #tpu.memory_space<vmem>>
    %dma_start3A_336 = tpu.memref_squeeze %dma_start3A_335 : memref<1x64x128xf32, #tpu.memory_space<vmem>> -> memref<64x128xf32, #tpu.memory_space<vmem>>
    %dma_start3A_337 = arith.constant 0 : i32
    %dma_start3A_338 = tpu.memref_slice %arg4[%dma_start3A_337, %multiple_of3A_300] : memref<64x1000000xf32, #tpu.memory_space<hbm>> -> memref<64x128xf32, #tpu.memory_space<hbm>>
    %dma_start3A_339 = tpu.memref_slice %arg14[%dma_start3A_332] : memref<6x!tpu.dma_semaphore, #tpu.memory_space<semaphore_mem>> -> memref<1x!tpu.dma_semaphore, #tpu.memory_space<semaphore_mem>>
    %dma_start3A_340 = tpu.memref_squeeze %dma_start3A_339 : memref<1x!tpu.dma_semaphore, #tpu.memory_space<semaphore_mem>> -> memref<!tpu.dma_semaphore, #tpu.memory_space<semaphore_mem>>
    %dma_start3A_341 = arith.constant 0 : i32
    %dma_start3A_342 = arith.constant 0 : i32
    %dma_start3A_343 = tpu.memref_slice %arg11[%dma_start3A_331, %dma_start3A_341, %dma_start3A_342] : memref<6x64x128xf32, #tpu.memory_space<vmem>> -> memref<1x64x128xf32, #tpu.memory_space<vmem>>
    %dma_start3A_344 = tpu.memref_squeeze %dma_start3A_343 : memref<1x64x128xf32, #tpu.memory_space<vmem>> -> memref<64x128xf32, #tpu.memory_space<vmem>>
    %dma_start3A_345 = arith.constant 0 : i32
    %dma_start3A_346 = tpu.memref_slice %arg4[%dma_start3A_345, %multiple_of3A_300] : memref<64x1000000xf32, #tpu.memory_space<hbm>> -> memref<64x128xf32, #tpu.memory_space<hbm>>
    tpu.enqueue_dma source(%dma_start3A_346 : memref<64x128xf32, #tpu.memory_space<hbm>>) target(%dma_start3A_344 : memref<64x128xf32, #tpu.memory_space<vmem>>) target_semaphore(%dma_start3A_340 : memref<!tpu.dma_semaphore, #tpu.memory_space<semaphore_mem>>)
    %dma_start3A_347 = arith.constant 3 : i32
    %dma_start3A_348 = arith.constant 3 : i32
    %dma_start3A_349 = arith.constant 0 : i32
    %dma_start3A_350 = arith.constant 0 : i32
    %dma_start3A_351 = tpu.memref_slice %arg12[%dma_start3A_347, %dma_start3A_349, %dma_start3A_350] : memref<6x64x128xf32, #tpu.memory_space<vmem>> -> memref<1x64x128xf32, #tpu.memory_space<vmem>>
    %dma_start3A_352 = tpu.memref_squeeze %dma_start3A_351 : memref<1x64x128xf32, #tpu.memory_space<vmem>> -> memref<64x128xf32, #tpu.memory_space<vmem>>
    %dma_start3A_353 = arith.constant 0 : i32
    %dma_start3A_354 = tpu.memref_slice %arg5[%dma_start3A_353, %multiple_of3A_330] : memref<64x1000000xf32, #tpu.memory_space<hbm>> -> memref<64x128xf32, #tpu.memory_space<hbm>>
    %dma_start3A_355 = tpu.memref_slice %arg15[%dma_start3A_348] : memref<6x!tpu.dma_semaphore, #tpu.memory_space<semaphore_mem>> -> memref<1x!tpu.dma_semaphore, #tpu.memory_space<semaphore_mem>>
    %dma_start3A_356 = tpu.memref_squeeze %dma_start3A_355 : memref<1x!tpu.dma_semaphore, #tpu.memory_space<semaphore_mem>> -> memref<!tpu.dma_semaphore, #tpu.memory_space<semaphore_mem>>
    %dma_start3A_357 = arith.constant 0 : i32
    %dma_start3A_358 = arith.constant 0 : i32
    %dma_start3A_359 = tpu.memref_slice %arg12[%dma_start3A_347, %dma_start3A_357, %dma_start3A_358] : memref<6x64x128xf32, #tpu.memory_space<vmem>> -> memref<1x64x128xf32, #tpu.memory_space<vmem>>
    %dma_start3A_360 = tpu.memref_squeeze %dma_start3A_359 : memref<1x64x128xf32, #tpu.memory_space<vmem>> -> memref<64x128xf32, #tpu.memory_space<vmem>>
    %dma_start3A_361 = arith.constant 0 : i32
    %dma_start3A_362 = tpu.memref_slice %arg5[%dma_start3A_361, %multiple_of3A_330] : memref<64x1000000xf32, #tpu.memory_space<hbm>> -> memref<64x128xf32, #tpu.memory_space<hbm>>
    tpu.enqueue_dma source(%dma_start3A_362 : memref<64x128xf32, #tpu.memory_space<hbm>>) target(%dma_start3A_360 : memref<64x128xf32, #tpu.memory_space<vmem>>) target_semaphore(%dma_start3A_356 : memref<!tpu.dma_semaphore, #tpu.memory_space<semaphore_mem>>)
    %get3A_363 = arith.constant 4 : i32
    %get3A_364 = arith.index_cast %get3A_363 : i32 to index
    %get3A_365 = memref.load %arg9[%get3A_364] : memref<512xi32, #tpu.memory_space<smem>>
    %jit3A_366 = arith.constant 128 : i32
    %div3A_367 = arith.divsi %get3A_365, %jit3A_366 : i32
    %sign3A_368 = arith.constant 0 : i32
    %sign3A_369 = arith.cmpi sgt, %get3A_365, %sign3A_368 : i32
    %sign3A_370 = arith.extui %sign3A_369 : i1 to i32
    %sign3A_371 = arith.constant 0 : i32
    %sign3A_372 = arith.cmpi slt, %get3A_365, %sign3A_371 : i32
    %sign3A_373 = arith.extui %sign3A_372 : i1 to i32
    %sign3A_374 = arith.subi %sign3A_370, %sign3A_373 : i32
    %sign3A_375 = arith.constant 0 : i32
    %sign3A_376 = arith.cmpi sgt, %jit3A_366, %sign3A_375 : i32
    %sign3A_377 = arith.extui %sign3A_376 : i1 to i32
    %sign3A_378 = arith.constant 0 : i32
    %sign3A_379 = arith.cmpi slt, %jit3A_366, %sign3A_378 : i32
    %sign3A_380 = arith.extui %sign3A_379 : i1 to i32
    %sign3A_381 = arith.subi %sign3A_377, %sign3A_380 : i32
    %ne3A_382 = arith.cmpi ne, %sign3A_374, %sign3A_381 : i32
    %rem3A_383 = arith.remsi %get3A_365, %jit3A_366 : i32
    %ne3A_384 = arith.constant 0 : i32
    %ne3A_385 = arith.cmpi ne, %rem3A_383, %ne3A_384 : i32
    %and3A_386 = arith.andi %ne3A_382, %ne3A_385 : i1
    %sub3A_387 = arith.constant 1 : i32
    %sub3A_388 = arith.subi %div3A_367, %sub3A_387 : i32
    %select_n3A_389 = arith.select %and3A_386, %sub3A_388, %div3A_367 : i32
    %mul3A_390 = arith.constant 128 : i32
    %mul3A_391 = arith.muli %select_n3A_389, %mul3A_390 : i32
    %multiple_of3A_392 = tpu.assume_multiple %mul3A_391, 128 : i32
    %get3A_393 = arith.constant 4 : i32
    %get3A_394 = arith.index_cast %get3A_393 : i32 to index
    %get3A_395 = memref.load %arg10[%get3A_394] : memref<512xi32, #tpu.memory_space<smem>>
    %jit3A_396 = arith.constant 128 : i32
    %div3A_397 = arith.divsi %get3A_395, %jit3A_396 : i32
    %sign3A_398 = arith.constant 0 : i32
    %sign3A_399 = arith.cmpi sgt, %get3A_395, %sign3A_398 : i32
    %sign3A_400 = arith.extui %sign3A_399 : i1 to i32
    %sign3A_401 = arith.constant 0 : i32
    %sign3A_402 = arith.cmpi slt, %get3A_395, %sign3A_401 : i32
    %sign3A_403 = arith.extui %sign3A_402 : i1 to i32
    %sign3A_404 = arith.subi %sign3A_400, %sign3A_403 : i32
    %sign3A_405 = arith.constant 0 : i32
    %sign3A_406 = arith.cmpi sgt, %jit3A_396, %sign3A_405 : i32
    %sign3A_407 = arith.extui %sign3A_406 : i1 to i32
    %sign3A_408 = arith.constant 0 : i32
    %sign3A_409 = arith.cmpi slt, %jit3A_396, %sign3A_408 : i32
    %sign3A_410 = arith.extui %sign3A_409 : i1 to i32
    %sign3A_411 = arith.subi %sign3A_407, %sign3A_410 : i32
    %ne3A_412 = arith.cmpi ne, %sign3A_404, %sign3A_411 : i32
    %rem3A_413 = arith.remsi %get3A_395, %jit3A_396 : i32
    %ne3A_414 = arith.constant 0 : i32
    %ne3A_415 = arith.cmpi ne, %rem3A_413, %ne3A_414 : i32
    %and3A_416 = arith.andi %ne3A_412, %ne3A_415 : i1
    %sub3A_417 = arith.constant 1 : i32
    %sub3A_418 = arith.subi %div3A_397, %sub3A_417 : i32
    %select_n3A_419 = arith.select %and3A_416, %sub3A_418, %div3A_397 : i32
    %mul3A_420 = arith.constant 128 : i32
    %mul3A_421 = arith.muli %select_n3A_419, %mul3A_420 : i32
    %multiple_of3A_422 = tpu.assume_multiple %mul3A_421, 128 : i32
    %dma_start3A_423 = arith.constant 4 : i32
    %dma_start3A_424 = arith.constant 4 : i32
    %dma_start3A_425 = arith.constant 0 : i32
    %dma_start3A_426 = arith.constant 0 : i32
    %dma_start3A_427 = tpu.memref_slice %arg11[%dma_start3A_423, %dma_start3A_425, %dma_start3A_426] : memref<6x64x128xf32, #tpu.memory_space<vmem>> -> memref<1x64x128xf32, #tpu.memory_space<vmem>>
    %dma_start3A_428 = tpu.memref_squeeze %dma_start3A_427 : memref<1x64x128xf32, #tpu.memory_space<vmem>> -> memref<64x128xf32, #tpu.memory_space<vmem>>
    %dma_start3A_429 = arith.constant 0 : i32
    %dma_start3A_430 = tpu.memref_slice %arg4[%dma_start3A_429, %multiple_of3A_392] : memref<64x1000000xf32, #tpu.memory_space<hbm>> -> memref<64x128xf32, #tpu.memory_space<hbm>>
    %dma_start3A_431 = tpu.memref_slice %arg14[%dma_start3A_424] : memref<6x!tpu.dma_semaphore, #tpu.memory_space<semaphore_mem>> -> memref<1x!tpu.dma_semaphore, #tpu.memory_space<semaphore_mem>>
    %dma_start3A_432 = tpu.memref_squeeze %dma_start3A_431 : memref<1x!tpu.dma_semaphore, #tpu.memory_space<semaphore_mem>> -> memref<!tpu.dma_semaphore, #tpu.memory_space<semaphore_mem>>
    %dma_start3A_433 = arith.constant 0 : i32
    %dma_start3A_434 = arith.constant 0 : i32
    %dma_start3A_435 = tpu.memref_slice %arg11[%dma_start3A_423, %dma_start3A_433, %dma_start3A_434] : memref<6x64x128xf32, #tpu.memory_space<vmem>> -> memref<1x64x128xf32, #tpu.memory_space<vmem>>
    %dma_start3A_436 = tpu.memref_squeeze %dma_start3A_435 : memref<1x64x128xf32, #tpu.memory_space<vmem>> -> memref<64x128xf32, #tpu.memory_space<vmem>>
    %dma_start3A_437 = arith.constant 0 : i32
    %dma_start3A_438 = tpu.memref_slice %arg4[%dma_start3A_437, %multiple_of3A_392] : memref<64x1000000xf32, #tpu.memory_space<hbm>> -> memref<64x128xf32, #tpu.memory_space<hbm>>
    tpu.enqueue_dma source(%dma_start3A_438 : memref<64x128xf32, #tpu.memory_space<hbm>>) target(%dma_start3A_436 : memref<64x128xf32, #tpu.memory_space<vmem>>) target_semaphore(%dma_start3A_432 : memref<!tpu.dma_semaphore, #tpu.memory_space<semaphore_mem>>)
    %dma_start3A_439 = arith.constant 4 : i32
    %dma_start3A_440 = arith.constant 4 : i32
    %dma_start3A_441 = arith.constant 0 : i32
    %dma_start3A_442 = arith.constant 0 : i32
    %dma_start3A_443 = tpu.memref_slice %arg12[%dma_start3A_439, %dma_start3A_441, %dma_start3A_442] : memref<6x64x128xf32, #tpu.memory_space<vmem>> -> memref<1x64x128xf32, #tpu.memory_space<vmem>>
    %dma_start3A_444 = tpu.memref_squeeze %dma_start3A_443 : memref<1x64x128xf32, #tpu.memory_space<vmem>> -> memref<64x128xf32, #tpu.memory_space<vmem>>
    %dma_start3A_445 = arith.constant 0 : i32
    %dma_start3A_446 = tpu.memref_slice %arg5[%dma_start3A_445, %multiple_of3A_422] : memref<64x1000000xf32, #tpu.memory_space<hbm>> -> memref<64x128xf32, #tpu.memory_space<hbm>>
    %dma_start3A_447 = tpu.memref_slice %arg15[%dma_start3A_440] : memref<6x!tpu.dma_semaphore, #tpu.memory_space<semaphore_mem>> -> memref<1x!tpu.dma_semaphore, #tpu.memory_space<semaphore_mem>>
    %dma_start3A_448 = tpu.memref_squeeze %dma_start3A_447 : memref<1x!tpu.dma_semaphore, #tpu.memory_space<semaphore_mem>> -> memref<!tpu.dma_semaphore, #tpu.memory_space<semaphore_mem>>
    %dma_start3A_449 = arith.constant 0 : i32
    %dma_start3A_450 = arith.constant 0 : i32
    %dma_start3A_451 = tpu.memref_slice %arg12[%dma_start3A_439, %dma_start3A_449, %dma_start3A_450] : memref<6x64x128xf32, #tpu.memory_space<vmem>> -> memref<1x64x128xf32, #tpu.memory_space<vmem>>
    %dma_start3A_452 = tpu.memref_squeeze %dma_start3A_451 : memref<1x64x128xf32, #tpu.memory_space<vmem>> -> memref<64x128xf32, #tpu.memory_space<vmem>>
    %dma_start3A_453 = arith.constant 0 : i32
    %dma_start3A_454 = tpu.memref_slice %arg5[%dma_start3A_453, %multiple_of3A_422] : memref<64x1000000xf32, #tpu.memory_space<hbm>> -> memref<64x128xf32, #tpu.memory_space<hbm>>
    tpu.enqueue_dma source(%dma_start3A_454 : memref<64x128xf32, #tpu.memory_space<hbm>>) target(%dma_start3A_452 : memref<64x128xf32, #tpu.memory_space<vmem>>) target_semaphore(%dma_start3A_448 : memref<!tpu.dma_semaphore, #tpu.memory_space<semaphore_mem>>)
    %iota3A = tpu.iota {dimensions = array<i32: 0>} : vector<16xi32>
    %eq3A = arith.constant 15 : i32
    %eq3A_455 = vector.broadcast %eq3A : i32 to vector<16xi32>
    %eq3A_456 = arith.cmpi eq, %iota3A, %eq3A_455 : vector<16xi32>
    %scan3A_457 = arith.constant 0 : i32
    %scan3A_458 = arith.constant 0 : i32
    %scan3A_459 = arith.constant 512 : i32
    %scan3A_460 = arith.addi %scan3A_458, %scan3A_459 : i32
    %scan3A_461 = arith.constant 1 : i32
    scf.for %scan3A_463 = %scan3A_458 to %scan3A_460 step %scan3A_461  : i32 {
      %lt3A = arith.constant 507 : i32
      %lt3A_464 = arith.cmpi slt, %scan3A_463, %lt3A : i32
      %convert_element_type3A = arith.extui %lt3A_464 : i1 to i32
      %cond3A = arith.constant 0 : i32
      %cond3A_465 = arith.cmpi ne, %convert_element_type3A, %cond3A : i32
      scf.if %cond3A_465 {
        %add3A_580 = arith.constant 5 : i32
        %add3A_581 = arith.addi %scan3A_463, %add3A_580 : i32
        %add3A_582 = arith.constant 5 : i32
        %add3A_583 = arith.addi %scan3A_463, %add3A_582 : i32
        %jit3A_584 = arith.constant 6 : i32
        %eq3A_585 = arith.constant 0 : i32
        %eq3A_586 = arith.cmpi eq, %jit3A_584, %eq3A_585 : i32
        %jit3A_587 = arith.constant 1 : i32
        %select_n3A_588 = arith.select %eq3A_586, %jit3A_587, %jit3A_584 : i32
        %rem3A_589 = arith.remsi %add3A_583, %select_n3A_588 : i32
        %ne3A_590 = arith.constant 0 : i32
        %ne3A_591 = arith.cmpi ne, %rem3A_589, %ne3A_590 : i32
        %lt3A_592 = arith.constant 0 : i32
        %lt3A_593 = arith.cmpi slt, %rem3A_589, %lt3A_592 : i32
        %lt3A_594 = arith.constant 0 : i32
        %lt3A_595 = arith.cmpi slt, %select_n3A_588, %lt3A_594 : i32
        %ne3A_596 = arith.xori %lt3A_593, %lt3A_595 : i1
        %and3A_597 = arith.andi %ne3A_596, %ne3A_591 : i1
        %add3A_598 = arith.addi %rem3A_589, %select_n3A_588 : i32
        %select_n3A_599 = arith.select %and3A_597, %add3A_598, %rem3A_589 : i32
        %get3A_600 = arith.index_cast %add3A_581 : i32 to index
        %get3A_601 = memref.load %arg9[%get3A_600] : memref<512xi32, #tpu.memory_space<smem>>
        %jit3A_602 = arith.constant 128 : i32
        %div3A_603 = arith.divsi %get3A_601, %jit3A_602 : i32
        %sign3A_604 = arith.constant 0 : i32
        %sign3A_605 = arith.cmpi sgt, %get3A_601, %sign3A_604 : i32
        %sign3A_606 = arith.extui %sign3A_605 : i1 to i32
        %sign3A_607 = arith.constant 0 : i32
        %sign3A_608 = arith.cmpi slt, %get3A_601, %sign3A_607 : i32
        %sign3A_609 = arith.extui %sign3A_608 : i1 to i32
        %sign3A_610 = arith.subi %sign3A_606, %sign3A_609 : i32
        %sign3A_611 = arith.constant 0 : i32
        %sign3A_612 = arith.cmpi sgt, %jit3A_602, %sign3A_611 : i32
        %sign3A_613 = arith.extui %sign3A_612 : i1 to i32
        %sign3A_614 = arith.constant 0 : i32
        %sign3A_615 = arith.cmpi slt, %jit3A_602, %sign3A_614 : i32
        %sign3A_616 = arith.extui %sign3A_615 : i1 to i32
        %sign3A_617 = arith.subi %sign3A_613, %sign3A_616 : i32
        %ne3A_618 = arith.cmpi ne, %sign3A_610, %sign3A_617 : i32
        %rem3A_619 = arith.remsi %get3A_601, %jit3A_602 : i32
        %ne3A_620 = arith.constant 0 : i32
        %ne3A_621 = arith.cmpi ne, %rem3A_619, %ne3A_620 : i32
        %and3A_622 = arith.andi %ne3A_618, %ne3A_621 : i1
        %sub3A_623 = arith.constant 1 : i32
        %sub3A_624 = arith.subi %div3A_603, %sub3A_623 : i32
        %select_n3A_625 = arith.select %and3A_622, %sub3A_624, %div3A_603 : i32
        %mul3A_626 = arith.constant 128 : i32
        %mul3A_627 = arith.muli %select_n3A_625, %mul3A_626 : i32
        %multiple_of3A_628 = tpu.assume_multiple %mul3A_627, 128 : i32
        %get3A_629 = arith.index_cast %add3A_581 : i32 to index
        %get3A_630 = memref.load %arg10[%get3A_629] : memref<512xi32, #tpu.memory_space<smem>>
        %jit3A_631 = arith.constant 128 : i32
        %div3A_632 = arith.divsi %get3A_630, %jit3A_631 : i32
        %sign3A_633 = arith.constant 0 : i32
        %sign3A_634 = arith.cmpi sgt, %get3A_630, %sign3A_633 : i32
        %sign3A_635 = arith.extui %sign3A_634 : i1 to i32
        %sign3A_636 = arith.constant 0 : i32
        %sign3A_637 = arith.cmpi slt, %get3A_630, %sign3A_636 : i32
        %sign3A_638 = arith.extui %sign3A_637 : i1 to i32
        %sign3A_639 = arith.subi %sign3A_635, %sign3A_638 : i32
        %sign3A_640 = arith.constant 0 : i32
        %sign3A_641 = arith.cmpi sgt, %jit3A_631, %sign3A_640 : i32
        %sign3A_642 = arith.extui %sign3A_641 : i1 to i32
        %sign3A_643 = arith.constant 0 : i32
        %sign3A_644 = arith.cmpi slt, %jit3A_631, %sign3A_643 : i32
        %sign3A_645 = arith.extui %sign3A_644 : i1 to i32
        %sign3A_646 = arith.subi %sign3A_642, %sign3A_645 : i32
        %ne3A_647 = arith.cmpi ne, %sign3A_639, %sign3A_646 : i32
        %rem3A_648 = arith.remsi %get3A_630, %jit3A_631 : i32
        %ne3A_649 = arith.constant 0 : i32
        %ne3A_650 = arith.cmpi ne, %rem3A_648, %ne3A_649 : i32
        %and3A_651 = arith.andi %ne3A_647, %ne3A_650 : i1
        %sub3A_652 = arith.constant 1 : i32
        %sub3A_653 = arith.subi %div3A_632, %sub3A_652 : i32
        %select_n3A_654 = arith.select %and3A_651, %sub3A_653, %div3A_632 : i32
        %mul3A_655 = arith.constant 128 : i32
        %mul3A_656 = arith.muli %select_n3A_654, %mul3A_655 : i32
        %multiple_of3A_657 = tpu.assume_multiple %mul3A_656, 128 : i32
        %dma_start3A_658 = arith.constant 0 : i32
        %dma_start3A_659 = arith.constant 0 : i32
        %dma_start3A_660 = tpu.memref_slice %arg11[%select_n3A_599, %dma_start3A_658, %dma_start3A_659] : memref<6x64x128xf32, #tpu.memory_space<vmem>> -> memref<1x64x128xf32, #tpu.memory_space<vmem>>
        %dma_start3A_661 = tpu.memref_squeeze %dma_start3A_660 : memref<1x64x128xf32, #tpu.memory_space<vmem>> -> memref<64x128xf32, #tpu.memory_space<vmem>>
        %dma_start3A_662 = arith.constant 0 : i32
        %dma_start3A_663 = tpu.memref_slice %arg4[%dma_start3A_662, %multiple_of3A_628] : memref<64x1000000xf32, #tpu.memory_space<hbm>> -> memref<64x128xf32, #tpu.memory_space<hbm>>
        %dma_start3A_664 = tpu.memref_slice %arg14[%select_n3A_599] : memref<6x!tpu.dma_semaphore, #tpu.memory_space<semaphore_mem>> -> memref<1x!tpu.dma_semaphore, #tpu.memory_space<semaphore_mem>>
        %dma_start3A_665 = tpu.memref_squeeze %dma_start3A_664 : memref<1x!tpu.dma_semaphore, #tpu.memory_space<semaphore_mem>> -> memref<!tpu.dma_semaphore, #tpu.memory_space<semaphore_mem>>
        %dma_start3A_666 = arith.constant 0 : i32
        %dma_start3A_667 = arith.constant 0 : i32
        %dma_start3A_668 = tpu.memref_slice %arg11[%select_n3A_599, %dma_start3A_666, %dma_start3A_667] : memref<6x64x128xf32, #tpu.memory_space<vmem>> -> memref<1x64x128xf32, #tpu.memory_space<vmem>>
        %dma_start3A_669 = tpu.memref_squeeze %dma_start3A_668 : memref<1x64x128xf32, #tpu.memory_space<vmem>> -> memref<64x128xf32, #tpu.memory_space<vmem>>
        %dma_start3A_670 = arith.constant 0 : i32
        %dma_start3A_671 = tpu.memref_slice %arg4[%dma_start3A_670, %multiple_of3A_628] : memref<64x1000000xf32, #tpu.memory_space<hbm>> -> memref<64x128xf32, #tpu.memory_space<hbm>>
        tpu.enqueue_dma source(%dma_start3A_671 : memref<64x128xf32, #tpu.memory_space<hbm>>) target(%dma_start3A_669 : memref<64x128xf32, #tpu.memory_space<vmem>>) target_semaphore(%dma_start3A_665 : memref<!tpu.dma_semaphore, #tpu.memory_space<semaphore_mem>>)
        %dma_start3A_672 = arith.constant 0 : i32
        %dma_start3A_673 = arith.constant 0 : i32
        %dma_start3A_674 = tpu.memref_slice %arg12[%select_n3A_599, %dma_start3A_672, %dma_start3A_673] : memref<6x64x128xf32, #tpu.memory_space<vmem>> -> memref<1x64x128xf32, #tpu.memory_space<vmem>>
        %dma_start3A_675 = tpu.memref_squeeze %dma_start3A_674 : memref<1x64x128xf32, #tpu.memory_space<vmem>> -> memref<64x128xf32, #tpu.memory_space<vmem>>
        %dma_start3A_676 = arith.constant 0 : i32
        %dma_start3A_677 = tpu.memref_slice %arg5[%dma_start3A_676, %multiple_of3A_657] : memref<64x1000000xf32, #tpu.memory_space<hbm>> -> memref<64x128xf32, #tpu.memory_space<hbm>>
        %dma_start3A_678 = tpu.memref_slice %arg15[%select_n3A_599] : memref<6x!tpu.dma_semaphore, #tpu.memory_space<semaphore_mem>> -> memref<1x!tpu.dma_semaphore, #tpu.memory_space<semaphore_mem>>
        %dma_start3A_679 = tpu.memref_squeeze %dma_start3A_678 : memref<1x!tpu.dma_semaphore, #tpu.memory_space<semaphore_mem>> -> memref<!tpu.dma_semaphore, #tpu.memory_space<semaphore_mem>>
        %dma_start3A_680 = arith.constant 0 : i32
        %dma_start3A_681 = arith.constant 0 : i32
        %dma_start3A_682 = tpu.memref_slice %arg12[%select_n3A_599, %dma_start3A_680, %dma_start3A_681] : memref<6x64x128xf32, #tpu.memory_space<vmem>> -> memref<1x64x128xf32, #tpu.memory_space<vmem>>
        %dma_start3A_683 = tpu.memref_squeeze %dma_start3A_682 : memref<1x64x128xf32, #tpu.memory_space<vmem>> -> memref<64x128xf32, #tpu.memory_space<vmem>>
        %dma_start3A_684 = arith.constant 0 : i32
        %dma_start3A_685 = tpu.memref_slice %arg5[%dma_start3A_684, %multiple_of3A_657] : memref<64x1000000xf32, #tpu.memory_space<hbm>> -> memref<64x128xf32, #tpu.memory_space<hbm>>
        tpu.enqueue_dma source(%dma_start3A_685 : memref<64x128xf32, #tpu.memory_space<hbm>>) target(%dma_start3A_683 : memref<64x128xf32, #tpu.memory_space<vmem>>) target_semaphore(%dma_start3A_679 : memref<!tpu.dma_semaphore, #tpu.memory_space<semaphore_mem>>)
      } else {
      }
      %jit3A_466 = arith.constant 6 : i32
      %eq3A_467 = arith.constant 0 : i32
      %eq3A_468 = arith.cmpi eq, %jit3A_466, %eq3A_467 : i32
      %jit3A_469 = arith.constant 1 : i32
      %select_n3A_470 = arith.select %eq3A_468, %jit3A_469, %jit3A_466 : i32
      %rem3A_471 = arith.remsi %scan3A_463, %select_n3A_470 : i32
      %ne3A_472 = arith.constant 0 : i32
      %ne3A_473 = arith.cmpi ne, %rem3A_471, %ne3A_472 : i32
      %lt3A_474 = arith.constant 0 : i32
      %lt3A_475 = arith.cmpi slt, %rem3A_471, %lt3A_474 : i32
      %lt3A_476 = arith.constant 0 : i32
      %lt3A_477 = arith.cmpi slt, %select_n3A_470, %lt3A_476 : i32
      %ne3A_478 = arith.xori %lt3A_475, %lt3A_477 : i1
      %and3A_479 = arith.andi %ne3A_478, %ne3A_473 : i1
      %add3A_480 = arith.addi %rem3A_471, %select_n3A_470 : i32
      %select_n3A_481 = arith.select %and3A_479, %add3A_480, %rem3A_471 : i32
      %dma_wait3A = arith.constant 0 : i32
      %dma_wait3A_482 = arith.constant 0 : i32
      %dma_wait3A_483 = tpu.memref_slice %arg11[%select_n3A_481, %dma_wait3A, %dma_wait3A_482] : memref<6x64x128xf32, #tpu.memory_space<vmem>> -> memref<1x64x128xf32, #tpu.memory_space<vmem>>
      %dma_wait3A_484 = tpu.memref_squeeze %dma_wait3A_483 : memref<1x64x128xf32, #tpu.memory_space<vmem>> -> memref<64x128xf32, #tpu.memory_space<vmem>>
      %dma_wait3A_485 = arith.constant 0 : i32
      %dma_wait3A_486 = arith.constant 0 : i32
      %dma_wait3A_487 = tpu.memref_slice %arg4[%dma_wait3A_485, %dma_wait3A_486] : memref<64x1000000xf32, #tpu.memory_space<hbm>> -> memref<64x128xf32, #tpu.memory_space<hbm>>
      %dma_wait3A_488 = tpu.memref_slice %arg14[%select_n3A_481] : memref<6x!tpu.dma_semaphore, #tpu.memory_space<semaphore_mem>> -> memref<1x!tpu.dma_semaphore, #tpu.memory_space<semaphore_mem>>
      %dma_wait3A_489 = tpu.memref_squeeze %dma_wait3A_488 : memref<1x!tpu.dma_semaphore, #tpu.memory_space<semaphore_mem>> -> memref<!tpu.dma_semaphore, #tpu.memory_space<semaphore_mem>>
      %dma_wait3A_490 = arith.constant 0 : i32
      %dma_wait3A_491 = arith.constant 0 : i32
      %dma_wait3A_492 = tpu.memref_slice %arg11[%select_n3A_481, %dma_wait3A_490, %dma_wait3A_491] : memref<6x64x128xf32, #tpu.memory_space<vmem>> -> memref<1x64x128xf32, #tpu.memory_space<vmem>>
      %dma_wait3A_493 = tpu.memref_squeeze %dma_wait3A_492 : memref<1x64x128xf32, #tpu.memory_space<vmem>> -> memref<64x128xf32, #tpu.memory_space<vmem>>
      %dma_wait3A_494 = arith.constant 0 : i32
      %dma_wait3A_495 = arith.constant 0 : i32
      %dma_wait3A_496 = tpu.memref_slice %arg4[%dma_wait3A_494, %dma_wait3A_495] : memref<64x1000000xf32, #tpu.memory_space<hbm>> -> memref<64x128xf32, #tpu.memory_space<hbm>>
      tpu.wait_dma2 semaphore(%dma_wait3A_489 : memref<!tpu.dma_semaphore, #tpu.memory_space<semaphore_mem>>) src(%dma_wait3A_496 : memref<64x128xf32, #tpu.memory_space<hbm>>) dst(%dma_wait3A_493 : memref<64x128xf32, #tpu.memory_space<vmem>>)
      %dma_wait3A_497 = arith.constant 0 : i32
      %dma_wait3A_498 = arith.constant 0 : i32
      %dma_wait3A_499 = tpu.memref_slice %arg12[%select_n3A_481, %dma_wait3A_497, %dma_wait3A_498] : memref<6x64x128xf32, #tpu.memory_space<vmem>> -> memref<1x64x128xf32, #tpu.memory_space<vmem>>
      %dma_wait3A_500 = tpu.memref_squeeze %dma_wait3A_499 : memref<1x64x128xf32, #tpu.memory_space<vmem>> -> memref<64x128xf32, #tpu.memory_space<vmem>>
      %dma_wait3A_501 = arith.constant 0 : i32
      %dma_wait3A_502 = arith.constant 0 : i32
      %dma_wait3A_503 = tpu.memref_slice %arg5[%dma_wait3A_501, %dma_wait3A_502] : memref<64x1000000xf32, #tpu.memory_space<hbm>> -> memref<64x128xf32, #tpu.memory_space<hbm>>
      %dma_wait3A_504 = tpu.memref_slice %arg15[%select_n3A_481] : memref<6x!tpu.dma_semaphore, #tpu.memory_space<semaphore_mem>> -> memref<1x!tpu.dma_semaphore, #tpu.memory_space<semaphore_mem>>
      %dma_wait3A_505 = tpu.memref_squeeze %dma_wait3A_504 : memref<1x!tpu.dma_semaphore, #tpu.memory_space<semaphore_mem>> -> memref<!tpu.dma_semaphore, #tpu.memory_space<semaphore_mem>>
      %dma_wait3A_506 = arith.constant 0 : i32
      %dma_wait3A_507 = arith.constant 0 : i32
      %dma_wait3A_508 = tpu.memref_slice %arg12[%select_n3A_481, %dma_wait3A_506, %dma_wait3A_507] : memref<6x64x128xf32, #tpu.memory_space<vmem>> -> memref<1x64x128xf32, #tpu.memory_space<vmem>>
      %dma_wait3A_509 = tpu.memref_squeeze %dma_wait3A_508 : memref<1x64x128xf32, #tpu.memory_space<vmem>> -> memref<64x128xf32, #tpu.memory_space<vmem>>
      %dma_wait3A_510 = arith.constant 0 : i32
      %dma_wait3A_511 = arith.constant 0 : i32
      %dma_wait3A_512 = tpu.memref_slice %arg5[%dma_wait3A_510, %dma_wait3A_511] : memref<64x1000000xf32, #tpu.memory_space<hbm>> -> memref<64x128xf32, #tpu.memory_space<hbm>>
      tpu.wait_dma2 semaphore(%dma_wait3A_505 : memref<!tpu.dma_semaphore, #tpu.memory_space<semaphore_mem>>) src(%dma_wait3A_512 : memref<64x128xf32, #tpu.memory_space<hbm>>) dst(%dma_wait3A_509 : memref<64x128xf32, #tpu.memory_space<vmem>>)
      %get3A_513 = arith.index_cast %scan3A_463 : i32 to index
      %get3A_514 = memref.load %arg9[%get3A_513] : memref<512xi32, #tpu.memory_space<smem>>
      %jit3A_515 = arith.constant 128 : i32
      %eq3A_516 = arith.constant 0 : i32
      %eq3A_517 = arith.cmpi eq, %jit3A_515, %eq3A_516 : i32
      %jit3A_518 = arith.constant 1 : i32
      %select_n3A_519 = arith.select %eq3A_517, %jit3A_518, %jit3A_515 : i32
      %rem3A_520 = arith.remsi %get3A_514, %select_n3A_519 : i32
      %ne3A_521 = arith.constant 0 : i32
      %ne3A_522 = arith.cmpi ne, %rem3A_520, %ne3A_521 : i32
      %lt3A_523 = arith.constant 0 : i32
      %lt3A_524 = arith.cmpi slt, %rem3A_520, %lt3A_523 : i32
      %lt3A_525 = arith.constant 0 : i32
      %lt3A_526 = arith.cmpi slt, %select_n3A_519, %lt3A_525 : i32
      %ne3A_527 = arith.xori %lt3A_524, %lt3A_526 : i1
      %and3A_528 = arith.andi %ne3A_527, %ne3A_522 : i1
      %add3A_529 = arith.addi %rem3A_520, %select_n3A_519 : i32
      %select_n3A_530 = arith.select %and3A_528, %add3A_529, %rem3A_520 : i32
      %broadcast_in_dim3A = vector.broadcast %select_n3A_530 : i32 to vector<16xi32>
      %get3A_531 = arith.index_cast %scan3A_463 : i32 to index
      %get3A_532 = memref.load %arg10[%get3A_531] : memref<512xi32, #tpu.memory_space<smem>>
      %jit3A_533 = arith.constant 128 : i32
      %eq3A_534 = arith.constant 0 : i32
      %eq3A_535 = arith.cmpi eq, %jit3A_533, %eq3A_534 : i32
      %jit3A_536 = arith.constant 1 : i32
      %select_n3A_537 = arith.select %eq3A_535, %jit3A_536, %jit3A_533 : i32
      %rem3A_538 = arith.remsi %get3A_532, %select_n3A_537 : i32
      %ne3A_539 = arith.constant 0 : i32
      %ne3A_540 = arith.cmpi ne, %rem3A_538, %ne3A_539 : i32
      %lt3A_541 = arith.constant 0 : i32
      %lt3A_542 = arith.cmpi slt, %rem3A_538, %lt3A_541 : i32
      %lt3A_543 = arith.constant 0 : i32
      %lt3A_544 = arith.cmpi slt, %select_n3A_537, %lt3A_543 : i32
      %ne3A_545 = arith.xori %lt3A_542, %lt3A_544 : i1
      %and3A_546 = arith.andi %ne3A_545, %ne3A_540 : i1
      %add3A_547 = arith.addi %rem3A_538, %select_n3A_537 : i32
      %select_n3A_548 = arith.select %and3A_546, %add3A_547, %rem3A_538 : i32
      %broadcast_in_dim3A_549 = vector.broadcast %select_n3A_548 : i32 to vector<16xi32>
      %broadcast_in_dim3A_550 = vector.broadcast %select_n3A_481 : i32 to vector<16xi32>
      %add3A_551 = arith.constant 0 : i32
      %add3A_552 = vector.broadcast %add3A_551 : i32 to vector<16xi32>
      %add3A_553 = arith.addi %iota3A, %add3A_552 : vector<16xi32>
      %gather3A = tpu.vector_load_idx %arg11[%broadcast_in_dim3A_550, %add3A_553, %broadcast_in_dim3A] : memref<6x64x128xf32, #tpu.memory_space<vmem>>[vector<16xi32>, vector<16xi32>, vector<16xi32>], vector<16xf32>,
      %gather3A_554 = tpu.vector_load_idx %arg12[%broadcast_in_dim3A_550, %add3A_553, %broadcast_in_dim3A_549] : memref<6x64x128xf32, #tpu.memory_space<vmem>>[vector<16xi32>, vector<16xi32>, vector<16xi32>], vector<16xf32>,
      %mul3A_555 = arith.mulf %gather3A, %gather3A_554 : vector<16xf32>
      %add3A_556 = arith.constant 16 : i32
      %add3A_557 = vector.broadcast %add3A_556 : i32 to vector<16xi32>
      %add3A_558 = arith.addi %iota3A, %add3A_557 : vector<16xi32>
      %gather3A_559 = tpu.vector_load_idx %arg11[%broadcast_in_dim3A_550, %add3A_558, %broadcast_in_dim3A] : memref<6x64x128xf32, #tpu.memory_space<vmem>>[vector<16xi32>, vector<16xi32>, vector<16xi32>], vector<16xf32>,
      %gather3A_560 = tpu.vector_load_idx %arg12[%broadcast_in_dim3A_550, %add3A_558, %broadcast_in_dim3A_549] : memref<6x64x128xf32, #tpu.memory_space<vmem>>[vector<16xi32>, vector<16xi32>, vector<16xi32>], vector<16xf32>,
      %mul3A_561 = arith.mulf %gather3A_559, %gather3A_560 : vector<16xf32>
      %add3A_562 = arith.addf %mul3A_555, %mul3A_561 : vector<16xf32>
      %add3A_563 = arith.constant 32 : i32
      %add3A_564 = vector.broadcast %add3A_563 : i32 to vector<16xi32>
      %add3A_565 = arith.addi %iota3A, %add3A_564 : vector<16xi32>
      %gather3A_566 = tpu.vector_load_idx %arg11[%broadcast_in_dim3A_550, %add3A_565, %broadcast_in_dim3A] : memref<6x64x128xf32, #tpu.memory_space<vmem>>[vector<16xi32>, vector<16xi32>, vector<16xi32>], vector<16xf32>,
      %gather3A_567 = tpu.vector_load_idx %arg12[%broadcast_in_dim3A_550, %add3A_565, %broadcast_in_dim3A_549] : memref<6x64x128xf32, #tpu.memory_space<vmem>>[vector<16xi32>, vector<16xi32>, vector<16xi32>], vector<16xf32>,
      %mul3A_568 = arith.mulf %gather3A_566, %gather3A_567 : vector<16xf32>
      %add3A_569 = arith.addf %add3A_562, %mul3A_568 : vector<16xf32>
      %add3A_570 = arith.constant 48 : i32
      %add3A_571 = vector.broadcast %add3A_570 : i32 to vector<16xi32>
      %add3A_572 = arith.addi %iota3A, %add3A_571 : vector<16xi32>
      %gather3A_573 = tpu.vector_load_idx %arg11[%broadcast_in_dim3A_550, %add3A_572, %broadcast_in_dim3A] : memref<6x64x128xf32, #tpu.memory_space<vmem>>[vector<16xi32>, vector<16xi32>, vector<16xi32>], vector<16xf32>,
      %gather3A_574 = tpu.vector_load_idx %arg12[%broadcast_in_dim3A_550, %add3A_572, %broadcast_in_dim3A_549] : memref<6x64x128xf32, #tpu.memory_space<vmem>>[vector<16xi32>, vector<16xi32>, vector<16xi32>], vector<16xf32>,
      %mul3A_575 = arith.mulf %gather3A_573, %gather3A_574 : vector<16xf32>
      %add3A_576 = arith.addf %add3A_569, %mul3A_575 : vector<16xf32>
      %broadcast_in_dim3A_577 = vector.broadcast %scan3A_463 : i32 to vector<16xi32>
      %broadcast_in_dim3A_578 = arith.constant true
      %broadcast_in_dim3A_579 = vector.broadcast %broadcast_in_dim3A_578 : i1 to vector<16xi1>
      %masked_cumsum3A = tpu.scan <sum>, %add3A_576 masked %broadcast_in_dim3A_579 : vector<16xf32>, vector<16xi1> -> vector<16xf32>
      tpu.vector_store_idx %arg13[%broadcast_in_dim3A_577], %masked_cumsum3A masked %eq3A_456 : memref<512xf32, #tpu.memory_space<vmem>>[vector<16xi32>], vector<16xf32>, vector<16xi1>
    }
    %scan3A_462 = arith.constant 512 : i32
    "tpu.region"() ({
      %run_scoped3A = tpu.sem_alloc : memref<!tpu.dma_semaphore, #tpu.memory_space<semaphore_mem>>
      %dma_start3A_463 = arith.constant 0 : i32
      %dma_start3A_464 = tpu.memref_slice %arg6[%add3A, %dma_start3A_463] : memref<32x512xf32, #tpu.memory_space<hbm>> -> memref<1x512xf32, #tpu.memory_space<hbm>>
      %dma_start3A_465 = tpu.memref_squeeze %dma_start3A_464 : memref<1x512xf32, #tpu.memory_space<hbm>> -> memref<512xf32, #tpu.memory_space<hbm>>
      %dma_start3A_466 = arith.constant 0 : i32
      %dma_start3A_467 = tpu.memref_slice %arg6[%add3A, %dma_start3A_466] : memref<32x512xf32, #tpu.memory_space<hbm>> -> memref<1x512xf32, #tpu.memory_space<hbm>>
      %dma_start3A_468 = tpu.memref_squeeze %dma_start3A_467 : memref<1x512xf32, #tpu.memory_space<hbm>> -> memref<512xf32, #tpu.memory_space<hbm>>
      tpu.enqueue_dma source(%arg13 : memref<512xf32, #tpu.memory_space<vmem>>) target(%dma_start3A_468 : memref<512xf32, #tpu.memory_space<hbm>>) target_semaphore(%run_scoped3A : memref<!tpu.dma_semaphore, #tpu.memory_space<semaphore_mem>>)
      %dma_wait3A = arith.constant 0 : i32
      %dma_wait3A_469 = tpu.memref_slice %arg6[%add3A, %dma_wait3A] : memref<32x512xf32, #tpu.memory_space<hbm>> -> memref<1x512xf32, #tpu.memory_space<hbm>>
      %dma_wait3A_470 = tpu.memref_squeeze %dma_wait3A_469 : memref<1x512xf32, #tpu.memory_space<hbm>> -> memref<512xf32, #tpu.memory_space<hbm>>
      %dma_wait3A_471 = arith.constant 0 : i32
      %dma_wait3A_472 = tpu.memref_slice %arg6[%add3A, %dma_wait3A_471] : memref<32x512xf32, #tpu.memory_space<hbm>> -> memref<1x512xf32, #tpu.memory_space<hbm>>
      %dma_wait3A_473 = tpu.memref_squeeze %dma_wait3A_472 : memref<1x512xf32, #tpu.memory_space<hbm>> -> memref<512xf32, #tpu.memory_space<hbm>>
      tpu.wait_dma2 semaphore(%run_scoped3A : memref<!tpu.dma_semaphore, #tpu.memory_space<semaphore_mem>>) src(%arg13 : memref<512xf32, #tpu.memory_space<vmem>>) dst(%dma_wait3A_473 : memref<512xf32, #tpu.memory_space<hbm>>)
      tpu.yield
    }) : () -> ()
    return
  }
}

</mosaic_0001>

<sc_bundles>
// kernel: kernel.3.cloned.1.call-start
scs
__scs_entry_jumppad:
0x0: {  	(pc) =	sbr.rel $0x88, $3  }
0x1: {  	(tag) =	ssettag $0x0;
	lr =	simm.s32 $0x1  }
0x2: {  	[smem:$0x3F9D] =	sst lr;
	_ =	strace $0xD0000000  }
0x3: {  	_ = 	snop  }
0x4: {  	_ = 	snop  }
0x5: {  	_ = 	snop  }
0x6: {  	_ = 	snop  }
0x7: {  	_ = 	snop  }
__scs_overlays_trampoline_lowered:
0x8: {  	[smem:$0x3FAC] =	sst s0  }
0x9: {  	[smem:$0x3FAD] =	sst s1  }
0xa: {  	[smem:$0x3FAE] =	sst s2  }
0xb: {  	[smem:$0x3FAF] =	sst s3  }
0xc: {  	[smem:$0x3FB0] =	sst s4  }
0xd: {  	[smem:$0x3FB1] =	sst s5  }
0xe: {  	[smem:$0x3FB2] =	sst s6  }
0xf: {  	[smem:$0x3FB3] =	sst s7  }
0x10: {  	[smem:$0x3FB4] =	sst s8  }
0x11: {  	[smem:$0x3FB5] =	sst s9;
	s0 =	simm.s32 @!p0 $0x0  }
0x12: {  	s1 =	sld [smem:$0x3F9B];
	s0 =	simm.s32 @p0 $0x1  }
0x13: {  	[smem:$0x3FB6] =	sst s0;
	s0 =	simm.s32 @!p1 $0x0  }
0x14: {  	s2 =	sld [smem:$0x3F9A];
	s0 =	simm.s32 @p1 $0x1  }
0x15: {  	[smem:$0x3FB7] =	sst s0;
	s0 =	simm.s32 @!p2 $0x0  }
0x16: {  	s3 =	sld [smem:$0x3FDB];
	s0 =	simm.s32 @p2 $0x1  }
0x17: {  	s4 =	simm.s32 $0x1BF5;
	[smem:$0x3FB9] =	sst s0  }
0x18: {  	s0 =	sld [smem:$0x3F9C];
	_ =	swait.ge [sflag:s4], $0x0  }
0x19: {  	s7 =	sld [smem:$0x3F9D]  }
0x1a: {  	s8 =	sadd.s32 $0xFFFFE003, lr  }
0x1b: {  	s9 =	sadd.s32 $0xFFFFFEF7, lr;
	s5 =	simm.s32 $0xFFFFFFFF;
	p2 =	slt.u32 s8, $0xFFFFF086  }
0x1c: {  	p1 =	slt.u32 s9, $0xF7A;
	s5 =	simm.s32 @!p2 $0x0  }
0x1d: {  	s5 =	simm.s32 @p1 $0x1;
	p0 =	seq.s32 s7, s2  }
0x1e: {  	s7 =	smul.u32 @!p0 $0xF7A, s2;
	p2 =	seq.s32 @!p0 s5, $0x0  }
0x1f: {  	s9 =	smul.u32 $0xF7A, s1;
	s8 =	simm.s32 @!p0 $0x1BF5;
	p2 =	por !p2, p0  }
0x20: {  	[sflag:s8] =	ssyncset.s32 @!p0 $0xFFFFF086;
	s6 =	sadd.s32 @!p0 s3, s7;
	s7 =	simm.s32 @!p0 $0x108  }
0x21: {  	s3 =	sadd.s32 s3, s9;
	s6 =	sadd.s32 @!p0 $0x88, s6;
	s7 =	simm.s32 @p2 $0x1082  }
0x22: {  	[simem:s7], [sflag:s8] =	dma.local @!p0 [hbm:s6], $0xF7A  }
0x23: {  	s9 =	sor.u32 $0xD0000000, s2;
	s6 =	simm.s32 $0x108;
	_ =	swait.ge @!p0 [sflag:s8], $0x0  }
0x24: {  	s3 =	sadd.s32 $0x88, s3;
	s6 =	simm.s32 @!p1 $0x1082;
	[sflag:s4] =	ssyncset.s32 $0xFFFFF086  }
0x25: {  	[simem:s6], [sflag:s4] =	dma.local [hbm:s3], $0xF7A  }
0x26: {  	[smem:$0x3F9D] =	sst s1;
	(tag) =	ssettag s2;
	_ =	strace s9  }
0x27: {  	s1 =	sld [smem:$0x3FAD]  }
0x28: {  	s2 =	sld [smem:$0x3FAE]  }
0x29: {  	s4 =	sld [smem:$0x3FB0]  }
0x2a: {  	p0 =	seq.s32 s5, $0x0;
	s5 =	sld [smem:$0x3FB1]  }
0x2b: {  	s6 =	sld [smem:$0x3FB2]  }
0x2c: {  	s7 =	sld [smem:$0x3FB3]  }
0x2d: {  	s3 =	simm.s32 $0x108;
	s8 =	sld [smem:$0x3FB4]  }
0x2e: {  	s3 =	simm.s32 @!p0 $0x1082;
	s9 =	sld [smem:$0x3FB5]  }
0x2f: {  	lr =	sadd.s32 s0, s3;
	s0 =	sld [smem:$0x3FAC]  }
0x30: {  	s3 =	sld [smem:$0x3FAF]  }
0x31: {  	[smem:$0x3FB8] =	sst s10  }
0x32: {  	s10 =	sld [smem:$0x3FB6];
	_ =	sdelay $0x3  }
0x33: {  	p0 =	seq.s32 s10, $0x1;
	s10 =	sld [smem:$0x3FB8];
	_ =	sdelay $0x3  }
0x34: {  	[smem:$0x3FB8] =	sst s10  }
0x35: {  	s10 =	sld [smem:$0x3FB7];
	_ =	sdelay $0x3  }
0x36: {  	p1 =	seq.s32 s10, $0x1;
	s10 =	sld [smem:$0x3FB8];
	_ =	sdelay $0x3  }
0x37: {  	[smem:$0x3FB8] =	sst s10  }
0x38: {  	s10 =	sld [smem:$0x3FB9]  }
0x39: {  	_ = 	snop;
	(pc) =	sbr.ind lr, $3  }
0x3a: {  	_ = 	snop  }
0x3b: {  	_ = 	snop  }
0x3c: {  	p2 =	seq.s32 s10, $0x1;
	s10 =	sld [smem:$0x3FB8]  }
0x3d: {  	_ =	shalt  }
0x3e: {  	_ =	shalt  }
0x3f: {  	_ =	shalt  }
0x40: {  	_ =	shalt  }
0x41: {  	_ =	shalt  }
0x42: {  	_ =	shalt  }
0x43: {  	_ =	shalt  }
0x44: {  	_ =	shalt  }
0x45: {  	_ =	shalt  }
0x46: {  	_ =	shalt  }
0x47: {  	_ =	shalt  }
0x48: {  	_ =	shalt  }
0x49: {  	_ =	shalt  }
0x4a: {  	_ =	shalt  }
0x4b: {  	_ =	shalt  }
0x4c: {  	_ =	shalt  }
0x4d: {  	_ =	shalt  }
0x4e: {  	_ =	shalt  }
0x4f: {  	_ =	shalt  }
0x50: {  	_ =	shalt  }
0x51: {  	_ =	shalt  }
0x52: {  	_ =	shalt  }
0x53: {  	_ =	shalt  }
0x54: {  	_ =	shalt  }
0x55: {  	_ =	shalt  }
0x56: {  	_ =	shalt  }
0x57: {  	_ =	shalt  }
0x58: {  	_ =	shalt  }
0x59: {  	_ =	shalt  }
0x5a: {  	_ =	shalt  }
0x5b: {  	_ =	shalt  }
0x5c: {  	_ =	shalt  }
0x5d: {  	_ =	shalt  }
0x5e: {  	_ =	shalt  }
0x5f: {  	_ =	shalt  }
0x60: {  	_ =	shalt  }
0x61: {  	_ =	shalt  }
0x62: {  	_ =	shalt  }
0x63: {  	_ =	shalt  }
0x64: {  	_ =	shalt  }
0x65: {  	_ =	shalt  }
0x66: {  	_ =	shalt  }
0x67: {  	_ =	shalt  }
0x68: {  	_ =	shalt  }
0x69: {  	_ =	shalt  }
0x6a: {  	_ =	shalt  }
0x6b: {  	_ =	shalt  }
0x6c: {  	_ =	shalt  }
0x6d: {  	_ =	shalt  }
0x6e: {  	_ =	shalt  }
0x6f: {  	_ =	shalt  }
0x70: {  	_ =	shalt  }
0x71: {  	_ =	shalt  }
0x72: {  	_ =	shalt  }
0x73: {  	_ =	shalt  }
0x74: {  	_ =	shalt  }
0x75: {  	_ =	shalt  }
0x76: {  	_ =	shalt  }
0x77: {  	_ =	shalt  }
0x78: {  	_ =	shalt  }
0x79: {  	_ =	shalt  }
0x7a: {  	_ =	shalt  }
0x7b: {  	_ =	shalt  }
0x7c: {  	_ =	shalt  }
0x7d: {  	_ =	shalt  }
0x7e: {  	_ =	shalt  }
0x7f: {  	_ =	shalt  }
0x80: {  	_ =	shalt  }
0x81: {  	_ =	shalt  }
0x82: {  	_ =	shalt  }
0x83: {  	_ =	shalt  }
0x84: {  	_ =	shalt  }
0x85: {  	_ =	shalt  }
0x86: {  	_ =	shalt  }
0x87: {  	_ =	shalt  }
.Lfunc_end0:
.L_simem_size_0:
called_computation_lowered:
.L_overlay_start_0:
0x88: {  	s2 =	sld [smem:$0x3FD9]  }
0x89: {  	s3 =	sld [smem:$0x3FFE];
	_ =	sdelay $0x1  }
0x8a: {  	s1 =	srdreg.scid  }
0x8b: {  	s0 =	sand.u32 $0x1, s1  }
0x8c: {  	s17 =	sshll.u32 s0, $0xA;
	s2 =	sadd.s32 s3, s2  }
0x8d: {  	s2 =	sadd.s32 s2, s17  }
0x8e: {  	[smem:$0x3FC4] =	sst s2  }
0x8f: {  	_ = 	snop  }
0x90: {  	s2 =	sld [smem:$0x3FC7]  }
0x91: {  	s18 =	sld [smem:$0x3FC6];
	(tm) =	ssettm $0x1  }
0x92: {  	s4 =	sld [smem:$0x3FFB];
	_ =	sdelay $0x3  }
0x93: {  	_ =	strace s4  }
0x94: {  	s4 =	sld [smem:$0x3FFC];
	_ =	sdelay $0x3  }
0x95: {  	_ =	strace s4  }
0x96: {  	s4 =	sld [smem:$0x3FFD];
	_ =	sdelay $0x3  }
0x97: {  	_ =	strace s4  }
0x98: {  	_ =	strace $0x8FFFFFFF  }
0x99: {  	s19 =	sld [smem:$0x3FDB];
	_ =	sdelay $0x1  }
0x9a: {  	s5 =	simm.s32 $_scs_section_size  }
0x9b: {  	s6 =	simm.s32 $_size__tile_overlayer_lowered;
	s7 =	simm.s32 $_tile_overlayer_lowered  }
0x9c: {  	s22 =	simm.s32 $0x1BFF;
	s21 =	sshll.u32 s7, $0x1;
	s4 =	sadd.s32 s5, s19  }
0x9d: {  	s8 =	simm.s32 $0x0;
	s20 =	sshll.u32 s6, $0x1;
	s6 =	sadd.s32 s21, s4  }
0x9e: {  	[timem:s8], [sflag:s22] =	dma.local [hbm:s6], s20  }
0x9f: {  	_ =	swait.ge [sflag:s22], s20  }
0xa0: {  	s5 =	ssub.s32 $0x0, s20;
	[sflag:s22] =	ssyncset.done $0x0  }
0xa1: {  	[sflag:s22] =	ssyncadd.s32 s5;
	_ =	sdelay $0x1  }
0xa2: {  	s23 =	simm.s32 $0x1B8B  }
0xa3: {  	_ =	swait.ge [sflag:s23], $0x1  }
0xa4: {  	[sflag:s23] =	ssyncset.done $0x0  }
0xa5: {  	s25 =	simm.s32 $0x1B8E;
	s24 =	sld [smem:$0x3FFE];
	[sflag:s23] =	ssyncadd.s32 $0xFFFFFFFF  }
0xa6: {  	s26 =	simm.s32 $execute0_lowered;
	[smem:$0x3FD2] =	sst s25  }
0xa7: {  	s6 =	sshll.u32 s26, $0x1;
	_ =	strace $0x80000046;
	[dreg:$0x1] =	wrdreg $0xFFFFFFFF  }
0xa8: {  	s28 =	simm.s32 $_size_execute0_lowered;
	s4 =	sadd.s32 s4, s6;
	[dreg:$0x0] =	wrdreg $0x0  }
0xa9: {  	s6 =	sshll.u32 s28, $0x1;
	[dreg:$0x2] =	wrdreg s4  }
0xaa: {  	[dreg:$0x3] =	wrdreg s6  }
0xab: {  	[dreg:$0x4] =	wrdreg $0xC0  }
0xac: {  	_ =	task [dreg:s8], $0x5FFFF  }
0xad: {  	[dreg:$0x1] =	wrdreg $0xFFFFFFFF  }
0xae: {  	[dreg:$0x0] =	wrdreg $0x60  }
0xaf: {  	[dreg:$0x2] =	wrdreg s24  }
0xb0: {  	[dreg:$0x3] =	wrdreg s2  }
0xb1: {  	[dreg:$0x4] =	wrdreg s18  }
0xb2: {  	[dreg:$0x5] =	wrdreg $0x9  }
0xb3: {  	_ =	task.clear_ibuf [dreg:s8], $0x6FFFF;
	_ =	strace $0x90000046  }
0xb4: {  	s29 =	simm.s32 $0x9;
	_ =	strace $0x80000048  }
0xb5: {  	_ =	swait.ge [sflag:s29], $0x1  }
0xb6: {  	[sflag:s29] =	ssyncadd.s32 $0xFFFFFFFF  }
0xb7: {  	_ =	strace $0x90000048  }
0xb8: {  	_ =	sfence  }
0xb9: {  	s30 =	sld [smem:$0x0];
	_ =	sdelay $0x2  }
0xba: {  	s31 =	sshll.u32 s1, $0xD;
	s1 =	sshrl.u32 s1, $0x2  }
0xbb: {  	s3 =	sand.u32 $0x4000, s31;
	s1 =	sadd.s32 s1, s30  }
0xbc: {  	s0 =	sor.u32 s3, s0;
	s1 =	sshll.u32 s1, $0x11  }
0xbd: {  	s0 =	sor.u32 s1, s0  }
0xbe: {  	s0 =	sadd.s32 $0x8F2B, s0  }
0xbf: {  	[sflag:s0] =	ssyncadd.remote.s32 $0x1  }
0xc0: {  	_ =	sfence.sel $0xFFFF  }
0xc1: {  	[dreg:$0x0] =	wrdreg $0xFFFFFFFF;
	(pc) =	sbr.abs _section_cstart, $3  }
0xc2: {  	[dreg:$0x1] =	wrdreg $0xFFFFFFFF  }
0xc3: {  	_ =	task.clear_ibuf [dreg:s8], $0x2FFFF;
	_ =	strace $0x9FFFFFFF  }
0xc4: {  	(tm) =	ssettm $0x7FFFFFFF  }
0xc5: {  	_ =	shalt  }
tec
execute0_lowered:
.L_overlay_start_1:
0x0: {  	(tag) =	ssettag $0x1  }
0x1: {  	s0 =	rddreg [dreg:$0x0];
	s1 =	srdreg.scid  }
0x2: {  	s3 =	stileid.u32;
	s2 =	rddreg [dreg:$0x1];
	s9 =	simm.s32 $0xD  }
0x3: {  	s11 =	simm.s32 $0x400;
	s12 =	simm.s32 $0x7A1400;
	s13 =	simm.s32 $0x2000  }
0x4: {  	s14 =	simm.s32 $0xE000;
	s22 =	simm.s32 $0x16000;
	s23 =	simm.s32 $0x1A000  }
0x5: {  	s24 =	simm.s32 $0x80;
	s1 =	sand.u32 $0x1, s1;
	s4 =	sshll.u32 s3, $0x1  }
0x6: {  	s25 =	simm.s32 $0x0;
	s3 =	rddreg [dreg:$0x2];
	s4 =	sor.u32 s1, s4  }
0x7: {  	s1 =	ssub.s32 $0x2, s1;
	s5 =	sshll.u32 s4, $0x9;
	s6 =	sshll.u32 s4, $0x7  }
0x8: {  	s4 =	simm.s32 $0x0;
	s7 =	sand.u32 $0x3000, s5;
	s6 =	sand.u32 $0x380, s6  }
0x9: {  	v0 =	vlaneseq.u32;
	s31 =	sshrl.u32 s1, $0x1;
	[smem:$0x7FF] =	sst s4;
	s6 =	sor.u32 s6, s7  }
0xa: {  	v0 =	vmul.u32 $0x80, v0;
	s8 =	sadd.s32 s5, s0;
	s1 =	ssub.s32 s1, s31;
	s6 =	sshrl.u32 s6, $0x3  }
0xb: {  	vm0 =	vcmask $0x3F3C;
	_ =	strace $0x80000047;
	s5 =	sadd.s32 $0x400, s8;
	s0 =	sadd.s32 s6, s0  }
0xc: {  	v1 =	vor.u32 $0x800, v0;
	v2 =	vor.u32 $0x1000, v0;
	v3 =	vor.u32 $0x1800, v0;
	s6 =	sadd.s32 $0x4400, s8;
	s8 =	smax.u32 s1, $0x1;
	s7 =	sadd.s32 $0x8400, s0  }
.LBB2_1:
0xd: {  	[tilespmem:s4], [sflag:$0xD] =	stream.linear.gather [hbm4b:s5+s4], $0x1000, $0x38;
	[tilespmem:$0x1A200] =	vst v63  }
0xe: {  	_ =	swait.ge [sflag:s9], $0x1000  }
0xf: {  	[sflag:s9] =	ssyncset.done $0x0  }
0x10: {  	s0 =	simm.s32 $0x1000;
	[sflag:s9] =	ssyncadd.s32 $0xFFFFF000  }
0x11: {  	[tilespmem:s0], [sflag:$0xD] =	stream.linear.gather [hbm4b:s6+s4], $0x1000, $0x38;
	[tilespmem:$0x1A200] =	vst v63  }
0x12: {  	_ =	swait.ge [sflag:s9], $0x1000  }
0x13: {  	[sflag:s9] =	ssyncset.done $0x0  }
0x14: {  	s21 =	simm.s32 $0x0;
	[sflag:s9] =	ssyncadd.s32 $0xFFFFF000  }
0x15: {  	v6 =	vld [tilespmem:s21+$0x0];
	_ =	sdelay $0x1  }
0x16: {  	v7 =	vld [tilespmem:s21+$0x1000];
	_ =	sdelay $0x2  }
0x17: {  	(v2sf) =	vpush v6, $0x0;
	_ =	sdelay $0x1  }
0x18: {  	(v2sf) =	vpush v7, $0x0  }
0x19: {  	(v2sf) =	vpush v6, $0x1  }
0x1a: {  	(v2sf) =	vpush v7, $0x1  }
0x1b: {  	(v2sf) =	vpush v6, $0x2  }
0x1c: {  	(v2sf) =	vpush v7, $0x2  }
0x1d: {  	(v2sf) =	vpush v6, $0x3  }
0x1e: {  	(v2sf) =	vpush v7, $0x3  }
0x1f: {  	(v2sf) =	vpush v6, $0x4  }
0x20: {  	(v2sf) =	vpush v7, $0x4  }
0x21: {  	(v2sf) =	vpush v6, $0x5  }
0x22: {  	(v2sf) =	vpush v7, $0x5  }
0x23: {  	(v2sf) =	vpush v6, $0x6  }
0x24: {  	(v2sf) =	vpush v7, $0x6  }
0x25: {  	(v2sf) =	vpush v6, $0x7;
	s26 =	spop (v2sf)  }
0x26: {  	(v2sf) =	vpush v7, $0x7;
	[smem:$0x0] =	sst s26  }
0x27: {  	s0 =	spop (v2sf)  }
0x28: {  	(v2sf) =	vpush v6, $0x8;
	[smem:$0x200] =	sst s0  }
0x29: {  	s0 =	spop (v2sf)  }
0x2a: {  	(v2sf) =	vpush v7, $0x8;
	[smem:$0x1] =	sst s0  }
0x2b: {  	s0 =	spop (v2sf)  }
0x2c: {  	(v2sf) =	vpush v6, $0x9;
	[smem:$0x201] =	sst s0  }
0x2d: {  	s0 =	spop (v2sf)  }
0x2e: {  	(v2sf) =	vpush v7, $0x9;
	[smem:$0x2] =	sst s0  }
0x2f: {  	s0 =	spop (v2sf)  }
0x30: {  	(v2sf) =	vpush v6, $0xA;
	[smem:$0x202] =	sst s0  }
0x31: {  	s0 =	spop (v2sf)  }
0x32: {  	(v2sf) =	vpush v7, $0xA;
	[smem:$0x3] =	sst s0  }
0x33: {  	s0 =	spop (v2sf)  }
0x34: {  	(v2sf) =	vpush v6, $0xB;
	[smem:$0x203] =	sst s0  }
0x35: {  	s0 =	spop (v2sf)  }
0x36: {  	(v2sf) =	vpush v7, $0xB;
	[smem:$0x4] =	sst s0  }
0x37: {  	s0 =	spop (v2sf)  }
0x38: {  	(v2sf) =	vpush v6, $0xC;
	[smem:$0x204] =	sst s0  }
0x39: {  	s0 =	spop (v2sf)  }
0x3a: {  	(v2sf) =	vpush v7, $0xC;
	[smem:$0x5] =	sst s0  }
0x3b: {  	s0 =	spop (v2sf)  }
0x3c: {  	(v2sf) =	vpush v6, $0xD;
	[smem:$0x205] =	sst s0  }
0x3d: {  	s1 =	simm.s32 $0x80;
	s0 =	spop (v2sf)  }
0x3e: {  	(v2sf) =	vpush v7, $0xD;
	v4 =	vld [tilespmem:s1+$0x0];
	[smem:$0x6] =	sst s0  }
0x3f: {  	s0 =	spop (v2sf)  }
0x40: {  	(v2sf) =	vpush v6, $0xE;
	v5 =	vld [tilespmem:s1+$0x1000];
	[smem:$0x206] =	sst s0  }
0x41: {  	s0 =	spop (v2sf)  }
0x42: {  	(v2sf) =	vpush v7, $0xE;
	[smem:$0x7] =	sst s0  }
0x43: {  	s0 =	spop (v2sf)  }
0x44: {  	(v2sf) =	vpush v6, $0xF;
	[smem:$0x207] =	sst s0  }
0x45: {  	s28 =	simm.s32 $0x8;
	s0 =	spop (v2sf)  }
0x46: {  	s29 =	simm.s32 $0x208;
	(v2sf) =	vpush v7, $0xF;
	[smem:s28] =	sst s0;
	s30 =	spop (v2sf)  }
0x47: {  	(v2sf) =	vpush v4, $0x0;
	[smem:s29] =	sst s30;
	s31 =	spop (v2sf)  }
0x48: {  	(v2sf) =	vpush v5, $0x0;
	[smem:$0x9] =	sst s31  }
0x49: {  	s0 =	spop (v2sf)  }
0x4a: {  	(v2sf) =	vpush v4, $0x1;
	[smem:$0x209] =	sst s0  }
0x4b: {  	s0 =	spop (v2sf)  }
0x4c: {  	(v2sf) =	vpush v5, $0x1;
	[smem:$0xA] =	sst s0  }
0x4d: {  	s0 =	spop (v2sf)  }
0x4e: {  	(v2sf) =	vpush v4, $0x2;
	[smem:$0x20A] =	sst s0  }
0x4f: {  	s0 =	spop (v2sf)  }
0x50: {  	(v2sf) =	vpush v5, $0x2;
	[smem:$0xB] =	sst s0  }
0x51: {  	s0 =	spop (v2sf)  }
0x52: {  	(v2sf) =	vpush v4, $0x3;
	[smem:$0x20B] =	sst s0  }
0x53: {  	s0 =	spop (v2sf)  }
0x54: {  	(v2sf) =	vpush v5, $0x3;
	[smem:$0xC] =	sst s0  }
0x55: {  	s0 =	spop (v2sf)  }
0x56: {  	(v2sf) =	vpush v4, $0x4;
	[smem:$0x20C] =	sst s0  }
0x57: {  	s0 =	spop (v2sf)  }
0x58: {  	(v2sf) =	vpush v5, $0x4;
	[smem:$0xD] =	sst s0  }
0x59: {  	s0 =	spop (v2sf)  }
0x5a: {  	(v2sf) =	vpush v4, $0x5;
	[smem:$0x20D] =	sst s0  }
0x5b: {  	s0 =	spop (v2sf)  }
0x5c: {  	(v2sf) =	vpush v5, $0x5;
	[smem:$0xE] =	sst s0  }
0x5d: {  	s0 =	spop (v2sf)  }
0x5e: {  	(v2sf) =	vpush v4, $0x6;
	[smem:$0x20E] =	sst s0  }
0x5f: {  	s0 =	spop (v2sf)  }
0x60: {  	(v2sf) =	vpush v5, $0x6;
	[smem:$0xF] =	sst s0  }
0x61: {  	s26 =	simm.s32 $0x218;
	s0 =	simm.s32 $0x400;
	s1 =	spop (v2sf)  }
.LBB2_2:
0x62: {  	[smem:s29+$0x7] =	sst s1;
	s28 =	sadd.s32 $0x10, s28  }
0x63: {  	(v2sf) =	vpush v4, $0x7;
	s1 =	smov.u32 s0;
	s30 =	sadd.s32 $0x200, s0;
	s29 =	smov.u32 s26  }
0x64: {  	p0 =	sne.s32 s0, $0x3E00;
	s0 =	spop (v2sf);
	(v2sf) =	vpush v5, $0x7  }
0x65: {  	[smem:s28+$0xFFFFFFF8] =	sst s0;
	s0 =	spop (v2sf);
	(v2sf) =	vpush v4, $0x8  }
0x66: {  	[smem:s26+$0xFFFFFFF8] =	sst s0;
	s0 =	spop (v2sf);
	(v2sf) =	vpush v5, $0x8  }
0x67: {  	[smem:s28+$0xFFFFFFF9] =	sst s0;
	s0 =	spop (v2sf);
	(v2sf) =	vpush v4, $0x9  }
0x68: {  	[smem:s26+$0xFFFFFFF9] =	sst s0;
	s0 =	spop (v2sf);
	(v2sf) =	vpush v5, $0x9  }
0x69: {  	[smem:s28+$0xFFFFFFFA] =	sst s0;
	s0 =	spop (v2sf);
	(v2sf) =	vpush v4, $0xA  }
0x6a: {  	[smem:s26+$0xFFFFFFFA] =	sst s0;
	s0 =	spop (v2sf);
	(v2sf) =	vpush v5, $0xA  }
0x6b: {  	[smem:s28+$0xFFFFFFFB] =	sst s0;
	s0 =	spop (v2sf);
	(v2sf) =	vpush v4, $0xB  }
0x6c: {  	[smem:s26+$0xFFFFFFFB] =	sst s0;
	s0 =	spop (v2sf);
	(v2sf) =	vpush v5, $0xB  }
0x6d: {  	[smem:s28+$0xFFFFFFFC] =	sst s0;
	s0 =	spop (v2sf);
	(v2sf) =	vpush v4, $0xC  }
0x6e: {  	[smem:s26+$0xFFFFFFFC] =	sst s0;
	s0 =	spop (v2sf);
	(v2sf) =	vpush v5, $0xC  }
0x6f: {  	[smem:s28+$0xFFFFFFFD] =	sst s0;
	s0 =	spop (v2sf);
	(v2sf) =	vpush v4, $0xD  }
0x70: {  	s1 =	sshra.s32 s1, $0x2;
	[smem:s26+$0xFFFFFFFD] =	sst s0;
	s0 =	spop (v2sf);
	(v2sf) =	vpush v5, $0xD  }
0x71: {  	v6 =	vld [tilespmem:s1+$0x0];
	[smem:s28+$0xFFFFFFFE] =	sst s0;
	s0 =	spop (v2sf);
	(v2sf) =	vpush v4, $0xE  }
0x72: {  	v7 =	vld [tilespmem:s1+$0x1000];
	[smem:s26+$0xFFFFFFFE] =	sst s0;
	s0 =	spop (v2sf);
	(v2sf) =	vpush v5, $0xE  }
0x73: {  	[smem:s28+$0xFFFFFFFF] =	sst s0;
	s0 =	spop (v2sf);
	(v2sf) =	vpush v4, $0xF  }
0x74: {  	[smem:s26+$0xFFFFFFFF] =	sst s0;
	s0 =	spop (v2sf);
	(v2sf) =	vpush v5, $0xF  }
0x75: {  	[smem:s28] =	sst s0;
	s0 =	spop (v2sf)  }
0x76: {  	(v2sf) =	vpush v6, $0x0;
	[smem:s26] =	sst s0;
	s0 =	spop (v2sf);
	v4 =	vmov v6  }
0x77: {  	(v2sf) =	vpush v7, $0x0;
	[smem:s28+$0x1] =	sst s0;
	s0 =	spop (v2sf);
	v5 =	vmov v7  }
0x78: {  	(v2sf) =	vpush v4, $0x1;
	[smem:s26+$0x1] =	sst s0;
	s0 =	spop (v2sf)  }
0x79: {  	(v2sf) =	vpush v5, $0x1;
	[smem:s28+$0x2] =	sst s0;
	s0 =	spop (v2sf)  }
0x7a: {  	(v2sf) =	vpush v4, $0x2;
	[smem:s26+$0x2] =	sst s0;
	s0 =	spop (v2sf)  }
0x7b: {  	(v2sf) =	vpush v5, $0x2;
	[smem:s28+$0x3] =	sst s0;
	s0 =	spop (v2sf)  }
0x7c: {  	(v2sf) =	vpush v4, $0x3;
	[smem:s26+$0x3] =	sst s0;
	s0 =	spop (v2sf)  }
0x7d: {  	(v2sf) =	vpush v5, $0x3;
	[smem:s28+$0x4] =	sst s0;
	s0 =	spop (v2sf)  }
0x7e: {  	(v2sf) =	vpush v4, $0x4;
	[smem:s26+$0x4] =	sst s0;
	s0 =	spop (v2sf)  }
0x7f: {  	[smem:s28+$0x5] =	sst s0  }
.Ltmp0:
0x80: {  	(v2sf) =	vpush v5, $0x4;
	s0 =	spop (v2sf);
	(pc) =	sbr.rel @p0 .LBB2_2-.Ltmp0, $4  }
0x81: {  	(v2sf) =	vpush v4, $0x5;
	[smem:s26+$0x5] =	sst s0;
	s0 =	spop (v2sf)  }
0x82: {  	(v2sf) =	vpush v5, $0x5;
	[smem:s28+$0x6] =	sst s0;
	s0 =	spop (v2sf)  }
0x83: {  	(v2sf) =	vpush v4, $0x6;
	[smem:s26+$0x6] =	sst s0;
	s0 =	spop (v2sf);
	s26 =	sadd.s32 $0x10, s26  }
0x84: {  	(v2sf) =	vpush v5, $0x6;
	[smem:s28+$0x7] =	sst s0;
	s1 =	spop (v2sf);
	s0 =	smov.u32 s30  }
0x85: {  	(v2sf) =	vpush v4, $0x7  }
0x86: {  	[smem:s29+$0x7] =	sst s1;
	s0 =	sadd.s32 $0x10, s28;
	s10 =	spop (v2sf);
	(v2sf) =	vpush v5, $0x7  }
0x87: {  	[smem:s0+$0xFFFFFFF8] =	sst s10;
	s15 =	spop (v2sf);
	(v2sf) =	vpush v4, $0x8  }
0x88: {  	[smem:s26+$0xFFFFFFF8] =	sst s15;
	s16 =	spop (v2sf);
	(v2sf) =	vpush v5, $0x8  }
0x89: {  	[smem:s0+$0xFFFFFFF9] =	sst s16;
	s17 =	spop (v2sf);
	(v2sf) =	vpush v4, $0x9  }
0x8a: {  	[smem:s26+$0xFFFFFFF9] =	sst s17;
	s18 =	spop (v2sf);
	(v2sf) =	vpush v5, $0x9  }
0x8b: {  	[smem:s0+$0xFFFFFFFA] =	sst s18;
	s19 =	spop (v2sf);
	(v2sf) =	vpush v4, $0xA  }
0x8c: {  	[smem:s26+$0xFFFFFFFA] =	sst s19;
	s20 =	spop (v2sf);
	(v2sf) =	vpush v5, $0xA  }
0x8d: {  	[smem:s0+$0xFFFFFFFB] =	sst s20;
	s21 =	spop (v2sf);
	(v2sf) =	vpush v4, $0xB  }
0x8e: {  	[smem:s26+$0xFFFFFFFB] =	sst s21;
	s10 =	spop (v2sf);
	(v2sf) =	vpush v5, $0xB  }
0x8f: {  	[smem:s0+$0xFFFFFFFC] =	sst s10;
	s15 =	spop (v2sf);
	(v2sf) =	vpush v4, $0xC  }
0x90: {  	[smem:s26+$0xFFFFFFFC] =	sst s15;
	s16 =	spop (v2sf);
	(v2sf) =	vpush v5, $0xC  }
0x91: {  	[smem:s0+$0xFFFFFFFD] =	sst s16;
	s17 =	spop (v2sf);
	(v2sf) =	vpush v4, $0xD  }
0x92: {  	[smem:s26+$0xFFFFFFFD] =	sst s17;
	s18 =	spop (v2sf);
	(v2sf) =	vpush v5, $0xD  }
0x93: {  	[smem:s0+$0xFFFFFFFE] =	sst s18;
	s19 =	spop (v2sf);
	(v2sf) =	vpush v4, $0xE  }
0x94: {  	[smem:s26+$0xFFFFFFFE] =	sst s19;
	s20 =	spop (v2sf);
	(v2sf) =	vpush v5, $0xE  }
0x95: {  	[smem:s0+$0xFFFFFFFF] =	sst s20;
	s21 =	spop (v2sf);
	(v2sf) =	vpush v4, $0xF  }
0x96: {  	[smem:s26+$0xFFFFFFFF] =	sst s21;
	s10 =	spop (v2sf);
	(v2sf) =	vpush v5, $0xF  }
0x97: {  	[smem:s0] =	sst s10;
	s15 =	spop (v2sf)  }
0x98: {  	[smem:s26] =	sst s15;
	s16 =	spop (v2sf)  }
0x99: {  	[smem:s0+$0x1] =	sst s16;
	s17 =	spop (v2sf)  }
0x9a: {  	[smem:s26+$0x1] =	sst s17;
	s18 =	spop (v2sf)  }
0x9b: {  	[smem:s0+$0x2] =	sst s18;
	s19 =	spop (v2sf)  }
0x9c: {  	[smem:s26+$0x2] =	sst s19;
	s20 =	spop (v2sf)  }
0x9d: {  	[smem:s0+$0x3] =	sst s20;
	s21 =	spop (v2sf)  }
0x9e: {  	[smem:s26+$0x3] =	sst s21;
	s10 =	spop (v2sf)  }
0x9f: {  	[smem:s0+$0x4] =	sst s10;
	s15 =	spop (v2sf)  }
0xa0: {  	[smem:s26+$0x4] =	sst s15;
	s16 =	spop (v2sf)  }
0xa1: {  	[smem:s0+$0x5] =	sst s16;
	s17 =	spop (v2sf)  }
0xa2: {  	[smem:s26+$0x5] =	sst s17;
	s18 =	spop (v2sf)  }
0xa3: {  	[smem:s0+$0x6] =	sst s18;
	s19 =	spop (v2sf)  }
0xa4: {  	[smem:s26+$0x6] =	sst s19;
	s20 =	spop (v2sf)  }
0xa5: {  	[smem:s0+$0x7] =	sst s20;
	s21 =	spop (v2sf)  }
0xa6: {  	[smem:s26+$0x7] =	sst s21  }
0xa7: {  	s0 =	sld [smem:$0x200]  }
0xa8: {  	s1 =	sld [smem:$0x0]  }
0xa9: {  	s17 =	sld [smem:$0x201]  }
0xaa: {  	s18 =	sld [smem:$0x1];
	s10 =	sshra.s32 s0, $0x1F  }
0xab: {  	p0 =	slt.s32 s0, $0x1;
	s15 =	sand.u32 $0x7F, s1;
	s16 =	sshra.s32 s1, $0x1F  }
0xac: {  	p1 =	slt.s32 s1, $0x1;
	s26 =	sand.u32 $0x7F, s0;
	s19 =	sshra.s32 s17, $0x1F  }
0xad: {  	p3 =	slt.s32 s17, $0x1;
	s20 =	sand.u32 $0x7F, s18;
	s21 =	sshra.s32 s18, $0x1F  }
0xae: {  	p4 =	slt.s32 s18, $0x1;
	s10 =	sshrl.u32 s10, $0x19;
	p2 =	sne.s32 s15, $0x0  }
0xaf: {  	s16 =	sshrl.u32 s16, $0x19;
	p6 =	sne.s32 s26, $0x0;
	p5 =	sne.s32 s20, $0x0  }
0xb0: {  	s26 =	sand.u32 $0x7F, s17;
	p1 =	por !p1, !p2;
	s1 =	sadd.s32 s16, s1  }
0xb1: {  	s16 =	simm.s32 $0x1;
	s0 =	sadd.s32 s10, s0;
	p0 =	por !p0, !p6  }
0xb2: {  	s10 =	simm.s32 $0x1;
	p6 =	sne.s32 s26, $0x0;
	p1 =	por !p1, !p1  }
0xb3: {  	s1 =	sshrl.u32 s1, $0x7;
	p0 =	por !p0, !p0;
	s0 =	sshrl.u32 s0, $0x7  }
0xb4: {  	s16 =	simm.s32 @!p1 $0x0;
	s10 =	simm.s32 @!p0 $0x0;
	p1 =	por !p4, !p5  }
0xb5: {  	p0 =	por !p3, !p6;
	s1 =	ssub.s32 s1, s16;
	s0 =	ssub.s32 s0, s10  }
0xb6: {  	s16 =	sshrl.u32 s21, $0x19;
	p1 =	por !p1, !p1;
	p0 =	por !p0, !p0  }
0xb7: {  	s1 =	sshll.u32 s1, $0x7;
	s0 =	sshll.u32 s0, $0x7;
	s10 =	sadd.s32 s16, s18  }
0xb8: {  	s16 =	simm.s32 $0x1;
	s1 =	sand.u32 $0x1FFFFF80, s1;
	s0 =	sand.u32 $0x1FFFFF80, s0  }
0xb9: {  	s10 =	sshrl.u32 s10, $0x7;
	s16 =	simm.s32 @!p1 $0x0;
	s1 =	sadd.s32 s2, s1  }
0xba: {  	[tilespmem:s13], [sflag:$0x1] =	stream.strided.gather [hbm4b:s1+s11], $0x2000, s12, s11, $0x38;
	[tilespmem:$0x1A200] =	vst v63  }
0xbb: {  	s0 =	sadd.s32 s3, s0;
	s15 =	ssub.s32 s10, s16;
	s10 =	simm.s32 $0x1  }
0xbc: {  	[tilespmem:s14], [sflag:$0x7] =	stream.strided.gather [hbm4b:s0+s11], $0x2000, s12, s11, $0x38;
	[tilespmem:$0x1A200] =	vst v63  }
0xbd: {  	s16 =	simm.s32 $0x4000;
	s1 =	sshll.u32 s15, $0x7;
	s0 =	sshrl.u32 s19, $0x19  }
0xbe: {  	s10 =	simm.s32 @!p0 $0x0;
	s1 =	sand.u32 $0x1FFFFF80, s1;
	s0 =	sadd.s32 s0, s17  }
0xbf: {  	s1 =	sadd.s32 s2, s1;
	s17 =	sld [smem:$0x2];
	s0 =	sshrl.u32 s0, $0x7  }
0xc0: {  	[tilespmem:s16], [sflag:$0x2] =	stream.strided.gather [hbm4b:s1+s11], $0x2000, s12, s11, $0x38;
	[tilespmem:$0x1A200] =	vst v63  }
0xc1: {  	s1 =	sld [smem:$0x202];
	s0 =	ssub.s32 s0, s10  }
0xc2: {  	s18 =	simm.s32 $0x10000;
	s0 =	sshll.u32 s0, $0x7;
	s20 =	sand.u32 $0x7F, s17  }
0xc3: {  	s21 =	sshra.s32 s17, $0x1F;
	p4 =	slt.s32 s17, $0x1;
	s0 =	sand.u32 $0x1FFFFF80, s0  }
0xc4: {  	s19 =	sshra.s32 s1, $0x1F;
	p3 =	slt.s32 s1, $0x1;
	p5 =	sne.s32 s20, $0x0  }
0xc5: {  	s26 =	sand.u32 $0x7F, s1;
	s16 =	sshrl.u32 s21, $0x19;
	s0 =	sadd.s32 s3, s0  }
0xc6: {  	p1 =	por !p4, !p5;
	s10 =	sadd.s32 s16, s17;
	s16 =	simm.s32 $0x1  }
0xc7: {  	[tilespmem:s18], [sflag:$0x8] =	stream.strided.gather [hbm4b:s0+s11], $0x2000, s12, s11, $0x38;
	[tilespmem:$0x1A200] =	vst v63  }
0xc8: {  	p6 =	sne.s32 s26, $0x0;
	s17 =	simm.s32 $0x6000;
	s0 =	sshrl.u32 s19, $0x19  }
0xc9: {  	p1 =	por !p1, !p1;
	s10 =	sshrl.u32 s10, $0x7;
	p0 =	por !p3, !p6  }
0xca: {  	s18 =	sld [smem:$0x3];
	s19 =	simm.s32 $0x12000;
	s16 =	simm.s32 @!p1 $0x0  }
0xcb: {  	s0 =	sadd.s32 s0, s1;
	p0 =	por !p0, !p0;
	s16 =	ssub.s32 s10, s16  }
0xcc: {  	s10 =	simm.s32 $0x1;
	s0 =	sshrl.u32 s0, $0x7;
	s1 =	sshll.u32 s16, $0x7  }
0xcd: {  	s10 =	simm.s32 @!p0 $0x0;
	s21 =	sand.u32 $0x7F, s18;
	s26 =	sshra.s32 s18, $0x1F  }
0xce: {  	p4 =	slt.s32 s18, $0x1;
	s1 =	sand.u32 $0x1FFFFF80, s1;
	s0 =	ssub.s32 s0, s10  }
0xcf: {  	p5 =	sne.s32 s21, $0x0;
	s16 =	sshrl.u32 s26, $0x19;
	s21 =	sld [smem:$0x4]  }
0xd0: {  	s26 =	simm.s32 $0x14000;
	s1 =	sadd.s32 s2, s1;
	s0 =	sshll.u32 s0, $0x7  }
0xd1: {  	p1 =	por !p4, !p5;
	s10 =	sadd.s32 s16, s18;
	s16 =	simm.s32 $0x1  }
0xd2: {  	[tilespmem:s17], [sflag:$0x3] =	stream.strided.gather [hbm4b:s1+s11], $0x2000, s12, s11, $0x38;
	[tilespmem:$0x1A200] =	vst v63  }
0xd3: {  	s0 =	sand.u32 $0x1FFFFF80, s0;
	s1 =	sld [smem:$0x203];
	p1 =	por !p1, !p1  }
0xd4: {  	s10 =	sshrl.u32 s10, $0x7;
	s0 =	sadd.s32 s3, s0;
	s16 =	simm.s32 @!p1 $0x0  }
0xd5: {  	[tilespmem:s19], [sflag:$0x9] =	stream.strided.gather [hbm4b:s0+s11], $0x2000, s12, s11, $0x38;
	[tilespmem:$0x1A200] =	vst v63  }
0xd6: {  	p4 =	slt.s32 s21, $0x1;
	s18 =	ssub.s32 s10, s16;
	s10 =	simm.s32 $0x1  }
0xd7: {  	s19 =	simm.s32 $0x8000;
	s16 =	sand.u32 $0x7F, s21;
	s20 =	sshra.s32 s1, $0x1F  }
0xd8: {  	p3 =	slt.s32 s1, $0x1;
	s17 =	sand.u32 $0x7F, s1;
	p5 =	sne.s32 s16, $0x0  }
0xd9: {  	s0 =	sshrl.u32 s20, $0x19;
	p6 =	sne.s32 s17, $0x0;
	s20 =	sld [smem:$0x204]  }
0xda: {  	s17 =	sshra.s32 s21, $0x1F;
	p1 =	por !p4, !p5;
	s0 =	sadd.s32 s0, s1  }
0xdb: {  	p0 =	por !p3, !p6;
	s1 =	sshll.u32 s18, $0x7;
	s16 =	sshrl.u32 s17, $0x19  }
0xdc: {  	p1 =	por !p1, !p1;
	p0 =	por !p0, !p0;
	s1 =	sand.u32 $0x1FFFFF80, s1  }
0xdd: {  	s0 =	sshrl.u32 s0, $0x7;
	s10 =	simm.s32 @!p0 $0x0;
	s1 =	sadd.s32 s2, s1  }
0xde: {  	s15 =	sshra.s32 s20, $0x1F;
	p3 =	slt.s32 s20, $0x1;
	s18 =	sand.u32 $0x7F, s20  }
0xdf: {  	[tilespmem:s19], [sflag:$0x4] =	stream.strided.gather [hbm4b:s1+s11], $0x2000, s12, s11, $0x38;
	[tilespmem:$0x1A200] =	vst v63  }
0xe0: {  	s0 =	ssub.s32 s0, s10;
	s10 =	sadd.s32 s16, s21;
	s16 =	simm.s32 $0x1  }
0xe1: {  	p6 =	sne.s32 s18, $0x0;
	s0 =	sshll.u32 s0, $0x7;
	s10 =	sshrl.u32 s10, $0x7  }
0xe2: {  	s16 =	simm.s32 @!p1 $0x0;
	p0 =	por !p3, !p6;
	s0 =	sand.u32 $0x1FFFFF80, s0  }
0xe3: {  	s19 =	ssub.s32 s10, s16;
	p0 =	por !p0, !p0;
	s10 =	simm.s32 $0x1  }
0xe4: {  	s0 =	sadd.s32 s3, s0;
	s1 =	sshll.u32 s19, $0x7;
	s10 =	simm.s32 @!p0 $0x0  }
0xe5: {  	[tilespmem:s26], [sflag:$0xA] =	stream.strided.gather [hbm4b:s0+s11], $0x2000, s12, s11, $0x38;
	[tilespmem:$0x1A200] =	vst v63  }
0xe6: {  	p0 =	por $0x0, $0x0;
	s0 =	sshrl.u32 s15, $0x19;
	s1 =	sand.u32 $0x1FFFFF80, s1  }
0xe7: {  	s0 =	sadd.s32 s0, s20;
	s1 =	sadd.s32 s2, s1;
	s20 =	simm.s32 $0xA000  }
0xe8: {  	[tilespmem:s20], [sflag:$0x5] =	stream.strided.gather [hbm4b:s1+s11], $0x2000, s12, s11, $0x38;
	[tilespmem:$0x1A200] =	vst v63  }
0xe9: {  	s0 =	sshrl.u32 s0, $0x7;
	s1 =	simm.s32 @!p0 $0x5  }
0xea: {  	s26 =	simm.s32 $0x0;
	s0 =	ssub.s32 s0, s10;
	s1 =	smul.u32 @!p0 $0xAAAB, s1  }
0xeb: {  	s21 =	smul.u32 $0xAAAB, s26;
	s0 =	sshll.u32 s0, $0x7  }
0xec: {  	s0 =	sand.u32 $0x1FFFFF80, s0;
	s1 =	sshrl.u32 @!p0 s1, $0x12  }
0xed: {  	s16 =	sshrl.u32 s21, $0x12;
	s0 =	sadd.s32 s3, s0;
	s1 =	smul.u32 @!p0 $0x6, s1  }
0xee: {  	[tilespmem:s22], [sflag:$0xB] =	stream.strided.gather [hbm4b:s0+s11], $0x2000, s12, s11, $0x38;
	[tilespmem:$0x1A200] =	vst v63  }
0xef: {  	s16 =	smul.u32 $0x6, s16;
	s0 =	sld @!p0 [smem:$0x5]  }
0xf0: {  	s15 =	simm.s32 @!p0 $0x1;
	s1 =	ssub.s32 @!p0 $0x5, s1;
	s10 =	sld @!p0 [smem:$0x205]  }
0xf1: {  	s29 =	simm.s32 @!p0 $0x400;
	s16 =	ssub.s32 $0x0, s16;
	s1 =	sand.u32 @!p0 $0xFFFF, s1  }
0xf2: {  	s17 =	sshra.s32 @!p0 s0, $0x1F;
	s18 =	sand.u32 @!p0 $0x7F, s0;
	p1 =	slt.s32 @!p0 s0, $0x1  }
0xf3: {  	s17 =	sshrl.u32 @!p0 s17, $0x19;
	p2 =	sne.s32 @!p0 s18, $0x0;
	s18 =	sand.u32 @!p0 $0x7F, s10  }
0xf4: {  	s28 =	sshra.s32 @!p0 s10, $0x1F;
	p3 =	slt.s32 @!p0 s10, $0x1;
	p1 =	por @!p0 !p1, !p2  }
0xf5: {  	p2 =	sne.s32 @!p0 s18, $0x0;
	s0 =	sadd.s32 @!p0 s17, s0;
	p1 =	por @!p0 !p1, !p1  }
0xf6: {  	s17 =	simm.s32 @!p0 $0x1;
	s18 =	sshrl.u32 @!p0 s28, $0x19;
	p1 =	por !p1, p0  }
0xf7: {  	s28 =	sadd.s32 @!p0 $0x1, s1;
	s17 =	simm.s32 @p1 $0x0;
	p1 =	por @!p0 !p3, !p2  }
0xf8: {  	s0 =	sshrl.u32 @!p0 s0, $0x7;
	s10 =	sadd.s32 @!p0 s18, s10;
	p1 =	por @!p0 !p1, !p1  }
0xf9: {  	s18 =	simm.s32 @!p0 $0x7A1400;
	s0 =	ssub.s32 @!p0 s0, s17;
	p1 =	por !p1, p0  }
0xfa: {  	s10 =	sshrl.u32 @!p0 s10, $0x7;
	s0 =	sshll.u32 @!p0 s0, $0x7;
	s15 =	simm.s32 @p1 $0x0  }
0xfb: {  	s17 =	sshll.u32 @!p0 s1, $0xD;
	s0 =	sand.u32 @!p0 $0x1FFFFF80, s0;
	s10 =	ssub.s32 @!p0 s10, s15  }
0xfc: {  	s0 =	sadd.s32 @!p0 s2, s0;
	s15 =	sadd.s32 @!p0 $0x2000, s17;
	s10 =	sshll.u32 @!p0 s10, $0x7  }
0xfd: {  	[tilespmem:s15], [sflag:s28] =	stream.strided.gather @!p0 [hbm4b:s0+s29], $0x2000, s18, s29, $0x38;
	[tilespmem:$0x1A200] =	vst v63  }
0xfe: {  	s16 =	sand.u32 $0xFFFF, s16;
	s17 =	sadd.s32 @!p0 $0xE000, s17;
	s10 =	sand.u32 @!p0 $0x1FFFFF80, s10  }
0xff: {  	s0 =	sadd.s32 @!p0 $0x7, s1;
	s15 =	sadd.s32 $0x1, s16;
	s1 =	sadd.s32 @!p0 s3, s10  }
0x100: {  	[tilespmem:s17], [sflag:s0] =	stream.strided.gather @!p0 [hbm4b:s1+s29], $0x2000, s18, s29, $0x38;
	[tilespmem:$0x1A200] =	vst v63  }
0x101: {  	_ =	swait.ge [sflag:s15], $0x2000  }
0x102: {  	[sflag:s15] =	ssyncset.done $0x0  }
0x103: {  	s17 =	sadd.s32 $0x7, s16;
	[sflag:s15] =	ssyncadd.s32 $0xFFFFE000  }
0x104: {  	_ =	swait.ge [sflag:s17], $0x2000  }
0x105: {  	[sflag:s17] =	ssyncset.done $0x0  }
0x106: {  	[sflag:s17] =	ssyncadd.s32 $0xFFFFE000  }
0x107: {  	s0 =	sld [smem:$0x0];
	_ =	sdelay $0x1  }
0x108: {  	s18 =	sshll.u32 s16, $0xD;
	s19 =	sld [smem:$0x200]  }
0x109: {  	v4 =	vor.u32 s18, v1;
	s0 =	sand.u32 $0x7F, s0  }
0x10a: {  	v5 =	vor.u32 s18, v0;
	v6 =	vor.u32 s0, v4  }
0x10b: {  	s10 =	sand.u32 $0x7F, s19;
	v7 =	vor.u32 s0, v5  }
0x10c: {  	v5 =	vor.u32 s10, v5  }
0x10d: {  	v8 =	vor.u32 s18, v2;
	v4 =	vor.u32 s10, v4  }
0x10e: {  	v9 =	vor.u32 s10, v8  }
0x10f: {  	v10 =	vor.u32 s18, v3;
	v8 =	vor.u32 s0, v8;
	v6 =	vld.idx.msk [tilespmem:v6+s13+$0x0], $0xffff  }
0x110: {  	v11 =	vor.u32 s10, v10;
	v7 =	vld.idx.msk [tilespmem:v7+s13+$0x0], $0xffff  }
0x111: {  	v10 =	vor.u32 s0, v10;
	v5 =	vld.idx.msk [tilespmem:v5+s14+$0x0], $0xffff  }
0x112: {  	v4 =	vld.idx.msk [tilespmem:v4+s14+$0x0], $0xffff  }
0x113: {  	v9 =	vld.idx.msk [tilespmem:v9+s14+$0x0], $0xffff  }
0x114: {  	v8 =	vld.idx.msk [tilespmem:v8+s13+$0x0], $0xffff  }
0x115: {  	v11 =	vld.idx.msk [tilespmem:v11+s14+$0x0], $0xffff  }
0x116: {  	p0 =	por $0x0, $0x0;
	v10 =	vld.idx.msk [tilespmem:v10+s13+$0x0], $0xffff  }
0x117: {  	s28 =	simm.s32 $0x1;
	s17 =	sld @!p0 [smem:$0x6];
	v5 =	vmul.f32 v5, v7;
	v4 =	vmul.f32 v4, v6  }
0x118: {  	s20 =	smul.u32 $0xAAAB, s28;
	s15 =	sld @!p0 [smem:$0x206]  }
0x119: {  	s31 =	simm.s32 $0x2;
	s30 =	simm.s32 $0x206;
	s29 =	simm.s32 $0x6;
	v63 =	vmul.f32 v9, v8;
	v4 =	vadd.f32 v4, v5  }
0x11a: {  	s21 =	sshrl.u32 s20, $0x12;
	s1 =	simm.s32 @!p0 $0x1;
	s10 =	sand.u32 @!p0 $0x7F, s17  }
0x11b: {  	s0 =	simm.s32 @!p0 $0x6;
	p1 =	sne.s32 @!p0 s10, $0x0;
	s10 =	sand.u32 @!p0 $0x7F, s15;
	v5 =	vmul.f32 v11, v10;
	v4 =	vadd.f32 v63, v4  }
0x11c: {  	s16 =	smul.u32 @!p0 $0xAAAB, s0;
	p3 =	slt.s32 @!p0 s17, $0x1;
	p2 =	sne.s32 @!p0 s10, $0x0  }
0x11d: {  	s10 =	sshra.s32 @!p0 s17, $0x1F;
	p1 =	por @!p0 !p3, !p1;
	p3 =	slt.s32 @!p0 s15, $0x1;
	v4 =	vadd.f32 v5, v4  }
0x11e: {  	s19 =	sshrl.u32 @!p0 s10, $0x19;
	s10 =	smul.u32 $0x6, s21;
	p1 =	por @!p0 !p1, !p1  }
0x11f: {  	s18 =	sadd.s32 @!p0 s19, s17;
	s17 =	sshra.s32 @!p0 s15, $0x1F;
	p4 =	por !p1, p0;
	(xrf2) =	vadd.scan.msk.f32 $0xffff, v4  }
.LBB2_4:
0x120: {  	s16 =	sshrl.u32 @!p0 s16, $0x12;
	s19 =	smov.u32 s1  }
0x121: {  	s18 =	sshrl.u32 @!p0 s18, $0x7;
	s20 =	smov.u32 s31;
	s19 =	simm.s32 @p4 $0x0  }
0x122: {  	s17 =	sshrl.u32 @!p0 s17, $0x19;
	s16 =	smul.u32 @!p0 $0x6, s16;
	s18 =	ssub.s32 @!p0 s18, s19  }
0x123: {  	p1 =	por @!p0 !p3, !p2;
	s15 =	sadd.s32 @!p0 s17, s15;
	s17 =	sshll.u32 @!p0 s18, $0x7  }
0x124: {  	p1 =	por @!p0 !p1, !p1;
	s0 =	ssub.s32 @!p0 s0, s16;
	s16 =	sand.u32 @!p0 $0x1FFFFF80, s17  }
0x125: {  	v4 =	vmov s26;
	p1 =	por !p1, p0;
	s0 =	sand.u32 @!p0 $0xFFFF, s0;
	s16 =	sadd.s32 @!p0 s2, s16  }
0x126: {  	s15 =	sshrl.u32 @!p0 s15, $0x7;
	s1 =	simm.s32 @p1 $0x0;
	s17 =	sshll.u32 @!p0 s0, $0xD  }
0x127: {  	s1 =	ssub.s32 @!p0 s15, s1;
	s15 =	sadd.s32 @!p0 $0x2000, s17;
	s17 =	sadd.s32 @!p0 $0xE000, s17  }
0x128: {  	s18 =	simm.s32 @!p0 $0x7A1400;
	s19 =	sadd.s32 @!p0 $0x7, s0;
	s1 =	sshll.u32 @!p0 s1, $0x7  }
0x129: {  	s21 =	simm.s32 @!p0 $0x400;
	s0 =	sadd.s32 @!p0 $0x1, s0;
	s1 =	sand.u32 @!p0 $0x1FFFFF80, s1  }
0x12a: {  	s31 =	sadd.s32 $0x1, s31;
	s10 =	ssub.s32 s28, s10;
	s1 =	sadd.s32 @!p0 s3, s1;
	v5, _, _ =	vpop (xrf2)  }
0x12b: {  	s26 =	smov.u32 s28;
	s10 =	sand.u32 $0xFFFF, s10;
	p1 =	sne.s32 s31, $0x200;
	[tilespmem:v4+s23+$0x0] =	vst.idx.msk vm0, v5  }
0x12c: {  	[tilespmem:s15], [sflag:s0] =	stream.strided.gather @!p0 [hbm4b:s16+s21], $0x2000, s18, s21, $0x38;
	[tilespmem:$0x1A200] =	vst v63  }
0x12d: {  	s28 =	smov.u32 s20;
	s0 =	sadd.s32 $0x1, s10;
	s15 =	sshll.u32 s10, $0xD  }
0x12e: {  	[tilespmem:s17], [sflag:s19] =	stream.strided.gather @!p0 [hbm4b:s1+s21], $0x2000, s18, s21, $0x38;
	[tilespmem:$0x1A200] =	vst v63  }
0x12f: {  	_ =	swait.ge [sflag:s0], $0x2000  }
0x130: {  	[sflag:s0] =	ssyncset.done $0x0  }
0x131: {  	[sflag:s0] =	ssyncadd.s32 $0xFFFFE000;
	s0 =	sadd.s32 $0x7, s10  }
0x132: {  	_ =	swait.ge [sflag:s0], $0x2000  }
0x133: {  	[sflag:s0] =	ssyncset.done $0x0  }
0x134: {  	[sflag:s0] =	ssyncadd.s32 $0xFFFFE000  }
0x135: {  	s0 =	sld [smem:s29+$0xFFFFFFFB]  }
0x136: {  	s1 =	sld [smem:s30+$0xFFFFFFFB]  }
0x137: {  	v4 =	vor.u32 s15, v3  }
0x138: {  	v5 =	vor.u32 s15, v0;
	v6 =	vor.u32 s15, v1;
	v7 =	vor.u32 s15, v2;
	s0 =	sand.u32 $0x7F, s0  }
0x139: {  	s1 =	sand.u32 $0x7F, s1;
	v8 =	vor.u32 s0, v5;
	v9 =	vor.u32 s0, v6;
	v10 =	vor.u32 s0, v7  }
0x13a: {  	v5 =	vor.u32 s1, v5;
	v6 =	vor.u32 s1, v6;
	v7 =	vor.u32 s1, v7  }
0x13b: {  	v11 =	vor.u32 s0, v4;
	v4 =	vor.u32 s1, v4;
	_ =	sdelay $0x2  }
0x13c: {  	v9 =	vld.idx.msk [tilespmem:v9+s13+$0x0], $0xffff  }
0x13d: {  	v8 =	vld.idx.msk [tilespmem:v8+s13+$0x0], $0xffff  }
0x13e: {  	v5 =	vld.idx.msk [tilespmem:v5+s14+$0x0], $0xffff  }
0x13f: {  	v7 =	vld.idx.msk [tilespmem:v7+s14+$0x0], $0xffff  }
0x140: {  	v6 =	vld.idx.msk [tilespmem:v6+s14+$0x0], $0xffff  }
0x141: {  	v10 =	vld.idx.msk [tilespmem:v10+s13+$0x0], $0xffff  }
0x142: {  	v4 =	vld.idx.msk [tilespmem:v4+s14+$0x0], $0xffff  }
0x143: {  	v11 =	vld.idx.msk [tilespmem:v11+s13+$0x0], $0xffff  }
0x144: {  	v5 =	vmul.f32 v5, v8;
	_ =	sdelay $0x1  }
0x145: {  	p0 =	sgt.u32 s28, $0x1FA;
	s29 =	sadd.s32 $0x1, s29;
	v6 =	vmul.f32 v6, v9  }
0x146: {  	s18 =	sld @!p0 [smem:s29+$0x0]  }
0x147: {  	s10 =	smul.u32 $0xAAAB, s28;
	s0 =	sadd.s32 @!p0 $0x5, s28;
	v7 =	vmul.f32 v7, v10  }
0x148: {  	s30 =	sadd.s32 $0x1, s30;
	s16 =	smul.u32 @!p0 $0xAAAB, s0;
	v5 =	vadd.f32 v6, v5  }
0x149: {  	s1 =	simm.s32 @!p0 $0x1;
	v4 =	vmul.f32 v4, v11;
	s15 =	sld @!p0 [smem:s30+$0x0];
	s17 =	sshra.s32 @!p0 s18, $0x1F  }
.Ltmp1:
0x14a: {  	v5 =	vadd.f32 v7, v5;
	p2 =	slt.s32 @!p0 s18, $0x1;
	s19 =	sand.u32 @!p0 $0x7F, s18;
	(pc) =	sbr.rel @p1 .LBB2_4-.Ltmp1, $4  }
0x14b: {  	s10 =	sshrl.u32 s10, $0x12;
	s20 =	sshrl.u32 @!p0 s17, $0x19;
	p3 =	sne.s32 @!p0 s19, $0x0  }
0x14c: {  	s10 =	smul.u32 $0x6, s10;
	v4 =	vadd.f32 v4, v5;
	s19 =	sand.u32 @!p0 $0x7F, s15;
	p3 =	por @!p0 !p2, !p3  }
0x14d: {  	s17 =	sshra.s32 @!p0 s15, $0x1F;
	p2 =	sne.s32 @!p0 s19, $0x0;
	p4 =	por @!p0 !p3, !p3  }
0x14e: {  	s18 =	sadd.s32 @!p0 s20, s18;
	p3 =	slt.s32 @!p0 s15, $0x1;
	p4 =	por !p4, p0;
	(xrf2) =	vadd.scan.msk.f32 $0xffff, v4  }
0x14f: {  	_ = 	snop  }
0x150: {  	s16 =	sshrl.u32 @!p0 s16, $0x12;
	s19 =	simm.s32 @!p0 $0x1  }
0x151: {  	s18 =	sshrl.u32 @!p0 s18, $0x7;
	s17 =	sshrl.u32 @!p0 s17, $0x19;
	p1 =	por @!p0 !p3, !p2  }
0x152: {  	s10 =	ssub.s32 s28, s10;
	s20 =	simm.s32 @!p0 $0x400;
	s19 =	simm.s32 @p4 $0x0  }
0x153: {  	s16 =	smul.u32 @!p0 $0x6, s16;
	s15 =	sadd.s32 @!p0 s17, s15;
	p1 =	por @!p0 !p1, !p1  }
0x154: {  	v4 =	vmov s26;
	s10 =	sand.u32 $0xFFFF, s10;
	s18 =	ssub.s32 @!p0 s18, s19;
	p1 =	por !p1, p0  }
0x155: {  	s15 =	sshrl.u32 @!p0 s15, $0x7;
	s21 =	sadd.s32 $0x1, s10;
	s17 =	sshll.u32 @!p0 s18, $0x7  }
0x156: {  	s0 =	ssub.s32 @!p0 s0, s16;
	s1 =	simm.s32 @p1 $0x0;
	s18 =	simm.s32 @!p0 $0x7A1400  }
0x157: {  	s16 =	sand.u32 @!p0 $0x1FFFFF80, s17;
	s0 =	sand.u32 @!p0 $0xFFFF, s0;
	s1 =	ssub.s32 @!p0 s15, s1  }
0x158: {  	s16 =	sadd.s32 @!p0 s2, s16;
	s17 =	sshll.u32 @!p0 s0, $0xD;
	s1 =	sshll.u32 @!p0 s1, $0x7;
	v5, _, _ =	vpop (xrf2)  }
0x159: {  	s19 =	sadd.s32 @!p0 $0x1, s0;
	s15 =	sadd.s32 @!p0 $0x2000, s17;
	s1 =	sand.u32 @!p0 $0x1FFFFF80, s1;
	[tilespmem:v4+s23+$0x0] =	vst.idx.msk vm0, v5  }
0x15a: {  	[tilespmem:s15], [sflag:s19] =	stream.strided.gather @!p0 [hbm4b:s16+s20], $0x2000, s18, s20, $0x38;
	[tilespmem:$0x1A200] =	vst v63  }
0x15b: {  	s0 =	sadd.s32 @!p0 $0x7, s0;
	s17 =	sadd.s32 @!p0 $0xE000, s17;
	s1 =	sadd.s32 @!p0 s3, s1  }
0x15c: {  	[tilespmem:s17], [sflag:s0] =	stream.strided.gather @!p0 [hbm4b:s1+s20], $0x2000, s18, s20, $0x38;
	[tilespmem:$0x1A200] =	vst v63  }
0x15d: {  	_ =	swait.ge [sflag:s21], $0x2000  }
0x15e: {  	[sflag:s21] =	ssyncset.done $0x0  }
0x15f: {  	s26 =	sadd.s32 $0x7, s10;
	[sflag:s21] =	ssyncadd.s32 $0xFFFFE000  }
0x160: {  	_ =	swait.ge [sflag:s26], $0x2000  }
0x161: {  	[sflag:s26] =	ssyncset.done $0x0  }
0x162: {  	[sflag:s26] =	ssyncadd.s32 $0xFFFFE000  }
0x163: {  	s0 =	sld [smem:s29+$0xFFFFFFFB];
	_ =	sdelay $0x1  }
0x164: {  	s29 =	sshll.u32 s10, $0xD;
	s31 =	sld [smem:s30+$0xFFFFFFFB]  }
0x165: {  	v4 =	vor.u32 s29, v1;
	s0 =	sand.u32 $0x7F, s0  }
0x166: {  	v5 =	vor.u32 s29, v0;
	v6 =	vor.u32 s0, v4  }
0x167: {  	s10 =	sand.u32 $0x7F, s31;
	v7 =	vor.u32 s0, v5  }
0x168: {  	v5 =	vor.u32 s10, v5  }
0x169: {  	v8 =	vor.u32 s29, v2;
	v4 =	vor.u32 s10, v4  }
0x16a: {  	v9 =	vor.u32 s10, v8  }
0x16b: {  	v10 =	vor.u32 s29, v3;
	v8 =	vor.u32 s0, v8;
	v6 =	vld.idx.msk [tilespmem:v6+s13+$0x0], $0xffff  }
0x16c: {  	v11 =	vor.u32 s10, v10;
	v7 =	vld.idx.msk [tilespmem:v7+s13+$0x0], $0xffff  }
0x16d: {  	v10 =	vor.u32 s0, v10;
	v5 =	vld.idx.msk [tilespmem:v5+s14+$0x0], $0xffff  }
0x16e: {  	v4 =	vld.idx.msk [tilespmem:v4+s14+$0x0], $0xffff  }
0x16f: {  	v9 =	vld.idx.msk [tilespmem:v9+s14+$0x0], $0xffff  }
0x170: {  	v8 =	vld.idx.msk [tilespmem:v8+s13+$0x0], $0xffff  }
0x171: {  	v11 =	vld.idx.msk [tilespmem:v11+s14+$0x0], $0xffff  }
0x172: {  	v10 =	vld.idx.msk [tilespmem:v10+s13+$0x0], $0xffff  }
0x173: {  	v5 =	vmul.f32 v5, v7;
	v4 =	vmul.f32 v4, v6;
	_ =	sdelay $0x1  }
0x174: {  	v63 =	vmul.f32 v9, v8;
	v4 =	vadd.f32 v4, v5;
	_ =	sdelay $0x1  }
0x175: {  	v5 =	vmul.f32 v11, v10;
	v4 =	vadd.f32 v63, v4;
	_ =	sdelay $0x1  }
0x176: {  	v4 =	vadd.f32 v5, v4;
	_ =	sdelay $0x1  }
0x177: {  	(xrf2) =	vadd.scan.msk.f32 $0xffff, v4;
	_ =	sdelay $0x5  }
0x178: {  	v4 =	vmov s28;
	_ =	sdelay $0x2  }
0x179: {  	s25 =	sadd.s32 $0x1, s25  }
0x17a: {  	p0 =	sne.s32 s25, s8;
	v5, _, _ =	vpop (xrf2)  }
.Ltmp2:
0x17b: {  	[tilespmem:v4+s23+$0x0] =	vst.idx.msk vm0, v5;
	(pc) =	sbr.rel @p0 .LBB2_1-.Ltmp2, $4  }
0x17c: {  	[hbm4b:s7+s24] =	stream.strided.scatter [tilespmem:s23], [sflag:$0xD], $0x200, s11, s24, $0x38;
	[tilespmem:$0x1A200] =	vst v63  }
0x17d: {  	_ =	swait.ge [sflag:s9], $0x200  }
0x17e: {  	[sflag:s9] =	ssyncset.done $0x0  }
0x17f: {  	[sflag:s9] =	ssyncadd.s32 $0xFFFFFE00  }
0x180: {  	_ =	sfence.sel $0x180000  }
0x181: {  	[bflag:$0x0] =	sbarrier.arrive $0xFFFF  }
0x182: {  	_ =	strace $0x90000047  }
0x183: {  	s0 =	stileid.u32;
	[bflag:$0x2] =	sbarrier.arrive $0xFFFF  }
0x184: {  	p0 =	sne.s32 s0, $0x0;
	s0 =	rddreg [dreg:$0x3]  }
0x185: {  	s0 =	sadd.s32 @!p0 $0x100000, s0  }
0x186: {  	[sflag:s0] =	ssyncadd.tile.s32 @!p0 $0x1;
	_ =	shalt  }
.Lfunc_end2:
_tile_overlayer_lowered:
.L_overlay_start_2:
0x187: {  	(tag) =	ssettag $0x2  }
0x188: {  	s0 =	rddreg [dreg:$0x0];
	s2 =	stileid.u32  }
0x189: {  	s1 =	rddreg [dreg:$0x1];
	p0 =	sne.s32 s2, $0x0  }
0x18a: {  	s3 =	rddreg [dreg:$0x2];
	[bflag:$0x3] =	sbarrier.arrive $0xFFFF;
	s2 =	simm.s32 @!p0 $0x1C0D  }
0x18b: {  	[timem:s3], [sflag:s2] =	dma.local @!p0 [hbm:s0], s1  }
0x18c: {  	s0 =	simm.s32 @!p0 $0xD  }
0x18d: {  	_ =	swait.ge @!p0 [sflag:s0], s1  }
0x18e: {  	s1 =	ssub.s32 @!p0 $0x0, s1;
	[sflag:s0] =	ssyncset.done @!p0 $0x0  }
0x18f: {  	[sflag:s0] =	ssyncadd.s32 @!p0 s1  }
0x190: {  	[bflag:$0x3] =	sbarrier.arrive $0xFFFF  }
0x191: {  	_ =	shalt  }

</sc_bundles>
